<compile_context>
chip_gen: v7x
topology: tpu7x:2x2x1
jax: 0.10.2.dev20260603
libtpu: 0.0.44.dev20260713+nightly
codegen_flags: <defaults>
</compile_context>

<pallas_src>
import functools

import jax
import jax.numpy as jnp
from jax import lax
from jax.experimental import pallas as pl
from jax.experimental.pallas import tpu as pltpu
from jax.experimental.pallas import tpu_sc as plsc

B, L, V, D = 4096, 200, 1000000, 32
LANES = 16
NUM_WORKERS = 32
BPW = B // NUM_WORKERS
CH = 40
NCH = L // CH
UNROLL = 4


def _num_chunks(len_v, b):
    n = len_v[pl.ds(b, LANES)][0]
    return n, (n + CH - 1) // CH


def _fire_batch(w_hbm, idx_all, rows, sem, len_v, b):
    _, k = _num_chunks(len_v, b)

    def fire(j, carry):
        off = pl.multiple_of(j * CH, CH)
        pltpu.async_copy(
            w_hbm.at[idx_all.at[b, pl.ds(off, CH)]],
            rows.at[pl.ds(off, CH)], sem)
        return carry

    lax.fori_loop(0, k, fire, 0)


def _drain_batch(w_hbm, idx_all, rows, sem, len_v, b):
    _, k = _num_chunks(len_v, b)

    def drain(j, carry):
        off = pl.multiple_of(j * CH, CH)
        pltpu.make_async_copy(
            w_hbm.at[idx_all.at[b, pl.ds(off, CH)]],
            rows.at[pl.ds(off, CH)], sem).wait()
        return carry

    lax.fori_loop(0, k, drain, 0)


def _accum_batch(rows, len_v, out_v, b):
    n = len_v[pl.ds(b, LANES)][0]
    n4 = n >> 2
    r = n & 3

    def body4(i, accs):
        a0, a1 = accs
        base = i * UNROLL
        for j in range(UNROLL):
            a0 = a0 + rows[base + j, pl.ds(0, LANES)]
            a1 = a1 + rows[base + j, pl.ds(LANES, LANES)]
        return a0, a1

    zero = jnp.zeros((LANES,), jnp.float32)
    a0, a1 = lax.fori_loop(0, n4, body4, (zero, zero))
    tail = n4 * UNROLL
    rvec = jnp.full((LANES,), r, dtype=jnp.int32)
    for j in range(UNROLL - 1):
        jv = jnp.full((LANES,), j, dtype=jnp.int32)
        mf = jnp.minimum(jnp.maximum(rvec - jv, 0), 1).astype(jnp.float32)
        a0 = a0 + rows[tail + j, pl.ds(0, LANES)] * mf
        a1 = a1 + rows[tail + j, pl.ds(LANES, LANES)] * mf
    nvec = jnp.full((LANES,), n, dtype=jnp.int32).astype(jnp.float32)
    out_v[b, pl.ds(0, LANES)] = a0 / nvec
    out_v[b, pl.ds(LANES, LANES)] = a1 / nvec


def _mean_embed_body(xs_hbm, len_hbm, w_hbm, out_hbm,
                     idx_all, rows_a, rows_b, len_v, out_v, sem_a, sem_b):
    c = lax.axis_index("c")
    s = lax.axis_index("s")
    wid = s * 2 + c
    base = wid * BPW

    pltpu.sync_copy(len_hbm.at[pl.ds(base, BPW)], len_v.at[pl.ds(0, BPW)])
    pltpu.sync_copy(xs_hbm.at[pl.ds(base, BPW), :], idx_all)

    _fire_batch(w_hbm, idx_all, rows_a, sem_a, len_v, 0)
    _fire_batch(w_hbm, idx_all, rows_b, sem_b, len_v, 1)

    def pair_body(k, carry):
        b0 = 2 * k
        _drain_batch(w_hbm, idx_all, rows_a, sem_a, len_v, b0)
        _accum_batch(rows_a, len_v, out_v, b0)
        _fire_batch(w_hbm, idx_all, rows_a, sem_a, len_v, b0 + 2)
        _drain_batch(w_hbm, idx_all, rows_b, sem_b, len_v, b0 + 1)
        _accum_batch(rows_b, len_v, out_v, b0 + 1)
        _fire_batch(w_hbm, idx_all, rows_b, sem_b, len_v, b0 + 3)
        return carry

    lax.fori_loop(0, BPW // 2 - 1, pair_body, 0)

    _drain_batch(w_hbm, idx_all, rows_a, sem_a, len_v, BPW - 2)
    _accum_batch(rows_a, len_v, out_v, BPW - 2)
    _drain_batch(w_hbm, idx_all, rows_b, sem_b, len_v, BPW - 1)
    _accum_batch(rows_b, len_v, out_v, BPW - 1)

    pltpu.sync_copy(out_v, out_hbm.at[pl.ds(base, BPW)])


@functools.partial(jax.jit, donate_argnums=())
def kernel(xs, xs_len, weight):
    mesh = plsc.VectorSubcoreMesh(core_axis_name="c", subcore_axis_name="s")
    k = functools.partial(
        pl.kernel,
        mesh=mesh,
        compiler_params=pltpu.CompilerParams(use_tc_tiling_on_sc=False),
        out_type=jax.ShapeDtypeStruct((B, D), jnp.float32),
        scratch_types=[
            pltpu.VMEM((BPW, L), jnp.int32),
            pltpu.VMEM((L, D), jnp.float32),
            pltpu.VMEM((L, D), jnp.float32),
            pltpu.VMEM((BPW + LANES,), jnp.int32),
            pltpu.VMEM((BPW, D), jnp.float32),
            pltpu.SemaphoreType.DMA,
            pltpu.SemaphoreType.DMA,
        ],
    )(_mean_embed_body)
    return k(xs.astype(jnp.int32), xs_len.astype(jnp.int32), weight)

# --- scband reference (transcript-rebuilt; emitter-appended) ---
"""Pipeline reference for scband-mean-embedding-55525337202981 (READ-ONLY COPY).

The authoritative reference and input builder live on the scoring server;
editing this copy changes nothing except your own understanding.
"""

import jax, jax.numpy as jnp
import numpy as np

B, L, V, D = 4096, 200, 1000000, 32

def setup_inputs(seed: int = 0) -> dict:
    key = jax.random.key(seed)
    k1, k2, k3 = jax.random.split(key, 3)
    xs = jax.random.randint(k1, (B, L), 0, V)
    # lengths must be >= 1 so the mean over the first x_len tokens is well-defined
    xs_len = jax.random.randint(k2, (B,), 1, L + 1)
    weight = jax.random.normal(k3, (V, D), dtype=jnp.float32)
    return {"xs": xs, "xs_len": xs_len, "weight": weight}

def reference(xs, xs_len, weight):
    # torch: stack([embed(x)[:x_len].mean(dim=-2) for x, x_len in zip(xs, xs_len)])
    # vectorized: gather embeddings, mask the first x_len positions, sum, divide by x_len
    emb = jnp.take(weight, xs, axis=0)  # [B, L, D]
    mask = (jnp.arange(L)[None, :] < xs_len[:, None]).astype(emb.dtype)  # [B, L]
    summed = jnp.sum(emb * mask[:, :, None], axis=1)  # [B, D]
    return summed / xs_len[:, None].astype(emb.dtype)

if __name__ == "__main__":
    import jax
    _d = setup_inputs()
    print(jax.jit(kernel)(*tuple(_d.values())))

</pallas_src>

<mosaic_0001>
#map = affine_map<(d0, d1) -> (0, 0)>
#map1 = affine_map<(d0, d1) -> (0)>
module attributes {stable_mosaic.version = 14 : i64} {
  func.func @_mean_embed_body(%arg0: i32, %arg1: i32, %arg2: memref<4096x200xi32, #tpu.memory_space<hbm>>, %arg3: memref<4096xi32, #tpu.memory_space<hbm>>, %arg4: memref<1000000x32xf32, #tpu.memory_space<hbm>>, %arg5: memref<4096x32xf32, #tpu.memory_space<hbm>>, %arg6: memref<128x200xi32, #tpu.memory_space<vmem>>, %arg7: memref<200x32xf32, #tpu.memory_space<vmem>>, %arg8: memref<200x32xf32, #tpu.memory_space<vmem>>, %arg9: memref<144xi32, #tpu.memory_space<vmem>>, %arg10: memref<128x32xf32, #tpu.memory_space<vmem>>, %arg11: memref<!tpu.dma_semaphore, #tpu.memory_space<semaphore_mem>>, %arg12: memref<!tpu.dma_semaphore, #tpu.memory_space<semaphore_mem>>) attributes {dimension_semantics = [#tpu.dimension_semantics<core_parallel>, #tpu.dimension_semantics<subcore_parallel>], iteration_bounds = array<i64: 2, 16>, scalar_prefetch = 0 : i64, scratch_operands = 7 : i64, tpu.core_type = #tpu.core_type<sc_vector_subcore>, window_params = [{transform_indices = #map}, {transform_indices = #map1}, {transform_indices = #map}, {transform_indices = #map}]} {
    %mul3A = arith.constant 2 : i32
    %mul3A_0 = arith.muli %arg1, %mul3A : i32
    %add3A = arith.addi %mul3A_0, %arg0 : i32
    %mul3A_1 = arith.constant 128 : i32
    %mul3A_2 = arith.muli %add3A, %mul3A_1 : i32
    "tpu.region"() ({
      %run_scoped3A = tpu.sem_alloc : memref<!tpu.dma_semaphore, #tpu.memory_space<semaphore_mem>>
      %dma_start3A = arith.constant 0 : i32
      %dma_start3A_400 = tpu.memref_slice %arg9[%dma_start3A] : memref<144xi32, #tpu.memory_space<vmem>> -> memref<128xi32, #tpu.memory_space<vmem>>
      %dma_start3A_401 = tpu.memref_slice %arg3[%mul3A_2] : memref<4096xi32, #tpu.memory_space<hbm>> -> memref<128xi32, #tpu.memory_space<hbm>>
      %dma_start3A_402 = arith.constant 0 : i32
      %dma_start3A_403 = tpu.memref_slice %arg9[%dma_start3A_402] : memref<144xi32, #tpu.memory_space<vmem>> -> memref<128xi32, #tpu.memory_space<vmem>>
      %dma_start3A_404 = tpu.memref_slice %arg3[%mul3A_2] : memref<4096xi32, #tpu.memory_space<hbm>> -> memref<128xi32, #tpu.memory_space<hbm>>
      tpu.enqueue_dma source(%dma_start3A_404 : memref<128xi32, #tpu.memory_space<hbm>>) target(%dma_start3A_403 : memref<128xi32, #tpu.memory_space<vmem>>) target_semaphore(%run_scoped3A : memref<!tpu.dma_semaphore, #tpu.memory_space<semaphore_mem>>)
      %dma_wait3A = arith.constant 0 : i32
      %dma_wait3A_405 = tpu.memref_slice %arg9[%dma_wait3A] : memref<144xi32, #tpu.memory_space<vmem>> -> memref<128xi32, #tpu.memory_space<vmem>>
      %dma_wait3A_406 = tpu.memref_slice %arg3[%mul3A_2] : memref<4096xi32, #tpu.memory_space<hbm>> -> memref<128xi32, #tpu.memory_space<hbm>>
      %dma_wait3A_407 = arith.constant 0 : i32
      %dma_wait3A_408 = tpu.memref_slice %arg9[%dma_wait3A_407] : memref<144xi32, #tpu.memory_space<vmem>> -> memref<128xi32, #tpu.memory_space<vmem>>
      %dma_wait3A_409 = tpu.memref_slice %arg3[%mul3A_2] : memref<4096xi32, #tpu.memory_space<hbm>> -> memref<128xi32, #tpu.memory_space<hbm>>
      tpu.wait_dma2 semaphore(%run_scoped3A : memref<!tpu.dma_semaphore, #tpu.memory_space<semaphore_mem>>) src(%dma_wait3A_409 : memref<128xi32, #tpu.memory_space<hbm>>) dst(%dma_wait3A_408 : memref<128xi32, #tpu.memory_space<vmem>>)
      tpu.yield
    }) : () -> ()
    "tpu.region"() ({
      %run_scoped3A = tpu.sem_alloc : memref<!tpu.dma_semaphore, #tpu.memory_space<semaphore_mem>>
      %dma_start3A = arith.constant 0 : i32
      %dma_start3A_400 = tpu.memref_slice %arg2[%mul3A_2, %dma_start3A] : memref<4096x200xi32, #tpu.memory_space<hbm>> -> memref<128x200xi32, #tpu.memory_space<hbm>>
      %dma_start3A_401 = arith.constant 0 : i32
      %dma_start3A_402 = tpu.memref_slice %arg2[%mul3A_2, %dma_start3A_401] : memref<4096x200xi32, #tpu.memory_space<hbm>> -> memref<128x200xi32, #tpu.memory_space<hbm>>
      tpu.enqueue_dma source(%dma_start3A_402 : memref<128x200xi32, #tpu.memory_space<hbm>>) target(%arg6 : memref<128x200xi32, #tpu.memory_space<vmem>>) target_semaphore(%run_scoped3A : memref<!tpu.dma_semaphore, #tpu.memory_space<semaphore_mem>>)
      %dma_wait3A = arith.constant 0 : i32
      %dma_wait3A_403 = tpu.memref_slice %arg2[%mul3A_2, %dma_wait3A] : memref<4096x200xi32, #tpu.memory_space<hbm>> -> memref<128x200xi32, #tpu.memory_space<hbm>>
      %dma_wait3A_404 = arith.constant 0 : i32
      %dma_wait3A_405 = tpu.memref_slice %arg2[%mul3A_2, %dma_wait3A_404] : memref<4096x200xi32, #tpu.memory_space<hbm>> -> memref<128x200xi32, #tpu.memory_space<hbm>>
      tpu.wait_dma2 semaphore(%run_scoped3A : memref<!tpu.dma_semaphore, #tpu.memory_space<semaphore_mem>>) src(%dma_wait3A_405 : memref<128x200xi32, #tpu.memory_space<hbm>>) dst(%arg6 : memref<128x200xi32, #tpu.memory_space<vmem>>)
      tpu.yield
    }) : () -> ()
    %get3A = arith.constant 0 : index
    %get3A_3 = tpu.vector_load %arg9[%get3A] {strides = array<i32>} : memref<144xi32, #tpu.memory_space<vmem>>, vector<16xi32>,
    %get3A_4 = vector.shape_cast %get3A_3 : vector<16xi32> to vector<16xi32>
    %slice3A = vector.extract_strided_slice %get3A_4 {offsets = [0], sizes = [1], strides = [1]} : vector<16xi32> to vector<1xi32>
    %squeeze3A = vector.extract %slice3A[0] : i32 from vector<1xi32>
    %add3A_5 = arith.constant 40 : i32
    %add3A_6 = arith.addi %squeeze3A, %add3A_5 : i32
    %sub3A = arith.constant 1 : i32
    %sub3A_7 = arith.subi %add3A_6, %sub3A : i32
    %jit3A = arith.constant 40 : i32
    %div3A = arith.divsi %sub3A_7, %jit3A : i32
    %sign3A = arith.constant 0 : i32
    %sign3A_8 = arith.cmpi sgt, %sub3A_7, %sign3A : i32
    %sign3A_9 = arith.extui %sign3A_8 : i1 to i32
    %sign3A_10 = arith.constant 0 : i32
    %sign3A_11 = arith.cmpi slt, %sub3A_7, %sign3A_10 : i32
    %sign3A_12 = arith.extui %sign3A_11 : i1 to i32
    %sign3A_13 = arith.subi %sign3A_9, %sign3A_12 : i32
    %sign3A_14 = arith.constant 0 : i32
    %sign3A_15 = arith.cmpi sgt, %jit3A, %sign3A_14 : i32
    %sign3A_16 = arith.extui %sign3A_15 : i1 to i32
    %sign3A_17 = arith.constant 0 : i32
    %sign3A_18 = arith.cmpi slt, %jit3A, %sign3A_17 : i32
    %sign3A_19 = arith.extui %sign3A_18 : i1 to i32
    %sign3A_20 = arith.subi %sign3A_16, %sign3A_19 : i32
    %ne3A = arith.cmpi ne, %sign3A_13, %sign3A_20 : i32
    %rem3A = arith.remsi %sub3A_7, %jit3A : i32
    %ne3A_21 = arith.constant 0 : i32
    %ne3A_22 = arith.cmpi ne, %rem3A, %ne3A_21 : i32
    %and3A = arith.andi %ne3A, %ne3A_22 : i1
    %sub3A_23 = arith.constant 1 : i32
    %sub3A_24 = arith.subi %div3A, %sub3A_23 : i32
    %select_n3A = arith.select %and3A, %sub3A_24, %div3A : i32
    %while3A = arith.constant 0 : i32
    %while3A_25 = arith.constant 0 : i32
    %while3A_26 = arith.subi %select_n3A, %while3A_25 : i32
    %while3A_27 = arith.addi %while3A_25, %while3A_26 : i32
    %while3A_28 = arith.constant 1 : i32
    %while3A_29 = arith.divsi %while3A_26, %while3A_28 : i32
    %while3A_30 = arith.muli %while3A_29, %while3A_28 : i32
    %while3A_31 = arith.addi %while3A_25, %while3A_30 : i32
    %while3A_32 = arith.constant 1 : i32
    scf.for %while3A_400 = %while3A_25 to %while3A_31 step %while3A_32  : i32 {
      %mul3A_401 = arith.constant 40 : i32
      %mul3A_402 = arith.muli %while3A_400, %mul3A_401 : i32
      %multiple_of3A = tpu.assume_multiple %mul3A_402, 40 : i32
      %dma_start3A = arith.constant 0 : i32
      %dma_start3A_403 = arith.constant 0 : i32
      %dma_start3A_404 = tpu.memref_slice %arg7[%multiple_of3A, %dma_start3A_403] : memref<200x32xf32, #tpu.memory_space<vmem>> -> memref<40x32xf32, #tpu.memory_space<vmem>>
      %dma_start3A_405 = tpu.memref_slice %arg6[%dma_start3A, %multiple_of3A] : memref<128x200xi32, #tpu.memory_space<vmem>> -> memref<1x40xi32, #tpu.memory_space<vmem>>
      %dma_start3A_406 = tpu.memref_squeeze %dma_start3A_405 : memref<1x40xi32, #tpu.memory_space<vmem>> -> memref<40xi32, #tpu.memory_space<vmem>>
      %dma_start3A_407 = arith.constant 0 : i32
      %dma_start3A_408 = arith.constant 0 : i32
      %dma_start3A_409 = tpu.memref_slice %arg4[%dma_start3A_407, %dma_start3A_408] : memref<1000000x32xf32, #tpu.memory_space<hbm>> -> memref<1000000x32xf32, #tpu.memory_space<hbm>>
      tpu.enqueue_indirect_dma source(%dma_start3A_409 : memref<1000000x32xf32, #tpu.memory_space<hbm>>) target(%dma_start3A_404 : memref<40x32xf32, #tpu.memory_space<vmem>>) offsets(%dma_start3A_406 : memref<40xi32, #tpu.memory_space<vmem>>) semaphore(%arg11 : memref<!tpu.dma_semaphore, #tpu.memory_space<semaphore_mem>>)
    }
    %while3A_33 = arith.constant 1 : i32
    scf.for %while3A_400 = %while3A_31 to %while3A_27 step %while3A_33  : i32 {
      %mul3A_401 = arith.constant 40 : i32
      %mul3A_402 = arith.muli %while3A_400, %mul3A_401 : i32
      %multiple_of3A = tpu.assume_multiple %mul3A_402, 40 : i32
      %dma_start3A = arith.constant 0 : i32
      %dma_start3A_403 = arith.constant 0 : i32
      %dma_start3A_404 = tpu.memref_slice %arg7[%multiple_of3A, %dma_start3A_403] : memref<200x32xf32, #tpu.memory_space<vmem>> -> memref<40x32xf32, #tpu.memory_space<vmem>>
      %dma_start3A_405 = tpu.memref_slice %arg6[%dma_start3A, %multiple_of3A] : memref<128x200xi32, #tpu.memory_space<vmem>> -> memref<1x40xi32, #tpu.memory_space<vmem>>
      %dma_start3A_406 = tpu.memref_squeeze %dma_start3A_405 : memref<1x40xi32, #tpu.memory_space<vmem>> -> memref<40xi32, #tpu.memory_space<vmem>>
      %dma_start3A_407 = arith.constant 0 : i32
      %dma_start3A_408 = arith.constant 0 : i32
      %dma_start3A_409 = tpu.memref_slice %arg4[%dma_start3A_407, %dma_start3A_408] : memref<1000000x32xf32, #tpu.memory_space<hbm>> -> memref<1000000x32xf32, #tpu.memory_space<hbm>>
      tpu.enqueue_indirect_dma source(%dma_start3A_409 : memref<1000000x32xf32, #tpu.memory_space<hbm>>) target(%dma_start3A_404 : memref<40x32xf32, #tpu.memory_space<vmem>>) offsets(%dma_start3A_406 : memref<40xi32, #tpu.memory_space<vmem>>) semaphore(%arg11 : memref<!tpu.dma_semaphore, #tpu.memory_space<semaphore_mem>>)
    }
    %get3A_34 = arith.constant 1 : index
    %get3A_35 = tpu.vector_load %arg9[%get3A_34] {strides = array<i32>} : memref<144xi32, #tpu.memory_space<vmem>>, vector<16xi32>,
    %get3A_36 = vector.shape_cast %get3A_35 : vector<16xi32> to vector<16xi32>
    %slice3A_37 = vector.extract_strided_slice %get3A_36 {offsets = [0], sizes = [1], strides = [1]} : vector<16xi32> to vector<1xi32>
    %squeeze3A_38 = vector.extract %slice3A_37[0] : i32 from vector<1xi32>
    %add3A_39 = arith.constant 40 : i32
    %add3A_40 = arith.addi %squeeze3A_38, %add3A_39 : i32
    %sub3A_41 = arith.constant 1 : i32
    %sub3A_42 = arith.subi %add3A_40, %sub3A_41 : i32
    %jit3A_43 = arith.constant 40 : i32
    %div3A_44 = arith.divsi %sub3A_42, %jit3A_43 : i32
    %sign3A_45 = arith.constant 0 : i32
    %sign3A_46 = arith.cmpi sgt, %sub3A_42, %sign3A_45 : i32
    %sign3A_47 = arith.extui %sign3A_46 : i1 to i32
    %sign3A_48 = arith.constant 0 : i32
    %sign3A_49 = arith.cmpi slt, %sub3A_42, %sign3A_48 : i32
    %sign3A_50 = arith.extui %sign3A_49 : i1 to i32
    %sign3A_51 = arith.subi %sign3A_47, %sign3A_50 : i32
    %sign3A_52 = arith.constant 0 : i32
    %sign3A_53 = arith.cmpi sgt, %jit3A_43, %sign3A_52 : i32
    %sign3A_54 = arith.extui %sign3A_53 : i1 to i32
    %sign3A_55 = arith.constant 0 : i32
    %sign3A_56 = arith.cmpi slt, %jit3A_43, %sign3A_55 : i32
    %sign3A_57 = arith.extui %sign3A_56 : i1 to i32
    %sign3A_58 = arith.subi %sign3A_54, %sign3A_57 : i32
    %ne3A_59 = arith.cmpi ne, %sign3A_51, %sign3A_58 : i32
    %rem3A_60 = arith.remsi %sub3A_42, %jit3A_43 : i32
    %ne3A_61 = arith.constant 0 : i32
    %ne3A_62 = arith.cmpi ne, %rem3A_60, %ne3A_61 : i32
    %and3A_63 = arith.andi %ne3A_59, %ne3A_62 : i1
    %sub3A_64 = arith.constant 1 : i32
    %sub3A_65 = arith.subi %div3A_44, %sub3A_64 : i32
    %select_n3A_66 = arith.select %and3A_63, %sub3A_65, %div3A_44 : i32
    %while3A_67 = arith.constant 0 : i32
    %while3A_68 = arith.constant 0 : i32
    %while3A_69 = arith.subi %select_n3A_66, %while3A_68 : i32
    %while3A_70 = arith.addi %while3A_68, %while3A_69 : i32
    %while3A_71 = arith.constant 1 : i32
    %while3A_72 = arith.divsi %while3A_69, %while3A_71 : i32
    %while3A_73 = arith.muli %while3A_72, %while3A_71 : i32
    %while3A_74 = arith.addi %while3A_68, %while3A_73 : i32
    %while3A_75 = arith.constant 1 : i32
    scf.for %while3A_400 = %while3A_68 to %while3A_74 step %while3A_75  : i32 {
      %mul3A_401 = arith.constant 40 : i32
      %mul3A_402 = arith.muli %while3A_400, %mul3A_401 : i32
      %multiple_of3A = tpu.assume_multiple %mul3A_402, 40 : i32
      %dma_start3A = arith.constant 1 : i32
      %dma_start3A_403 = arith.constant 0 : i32
      %dma_start3A_404 = tpu.memref_slice %arg8[%multiple_of3A, %dma_start3A_403] : memref<200x32xf32, #tpu.memory_space<vmem>> -> memref<40x32xf32, #tpu.memory_space<vmem>>
      %dma_start3A_405 = tpu.memref_slice %arg6[%dma_start3A, %multiple_of3A] : memref<128x200xi32, #tpu.memory_space<vmem>> -> memref<1x40xi32, #tpu.memory_space<vmem>>
      %dma_start3A_406 = tpu.memref_squeeze %dma_start3A_405 : memref<1x40xi32, #tpu.memory_space<vmem>> -> memref<40xi32, #tpu.memory_space<vmem>>
      %dma_start3A_407 = arith.constant 0 : i32
      %dma_start3A_408 = arith.constant 0 : i32
      %dma_start3A_409 = tpu.memref_slice %arg4[%dma_start3A_407, %dma_start3A_408] : memref<1000000x32xf32, #tpu.memory_space<hbm>> -> memref<1000000x32xf32, #tpu.memory_space<hbm>>
      tpu.enqueue_indirect_dma source(%dma_start3A_409 : memref<1000000x32xf32, #tpu.memory_space<hbm>>) target(%dma_start3A_404 : memref<40x32xf32, #tpu.memory_space<vmem>>) offsets(%dma_start3A_406 : memref<40xi32, #tpu.memory_space<vmem>>) semaphore(%arg12 : memref<!tpu.dma_semaphore, #tpu.memory_space<semaphore_mem>>)
    }
    %while3A_76 = arith.constant 1 : i32
    scf.for %while3A_400 = %while3A_74 to %while3A_70 step %while3A_76  : i32 {
      %mul3A_401 = arith.constant 40 : i32
      %mul3A_402 = arith.muli %while3A_400, %mul3A_401 : i32
      %multiple_of3A = tpu.assume_multiple %mul3A_402, 40 : i32
      %dma_start3A = arith.constant 1 : i32
      %dma_start3A_403 = arith.constant 0 : i32
      %dma_start3A_404 = tpu.memref_slice %arg8[%multiple_of3A, %dma_start3A_403] : memref<200x32xf32, #tpu.memory_space<vmem>> -> memref<40x32xf32, #tpu.memory_space<vmem>>
      %dma_start3A_405 = tpu.memref_slice %arg6[%dma_start3A, %multiple_of3A] : memref<128x200xi32, #tpu.memory_space<vmem>> -> memref<1x40xi32, #tpu.memory_space<vmem>>
      %dma_start3A_406 = tpu.memref_squeeze %dma_start3A_405 : memref<1x40xi32, #tpu.memory_space<vmem>> -> memref<40xi32, #tpu.memory_space<vmem>>
      %dma_start3A_407 = arith.constant 0 : i32
      %dma_start3A_408 = arith.constant 0 : i32
      %dma_start3A_409 = tpu.memref_slice %arg4[%dma_start3A_407, %dma_start3A_408] : memref<1000000x32xf32, #tpu.memory_space<hbm>> -> memref<1000000x32xf32, #tpu.memory_space<hbm>>
      tpu.enqueue_indirect_dma source(%dma_start3A_409 : memref<1000000x32xf32, #tpu.memory_space<hbm>>) target(%dma_start3A_404 : memref<40x32xf32, #tpu.memory_space<vmem>>) offsets(%dma_start3A_406 : memref<40xi32, #tpu.memory_space<vmem>>) semaphore(%arg12 : memref<!tpu.dma_semaphore, #tpu.memory_space<semaphore_mem>>)
    }
    %scan3A = arith.constant 0 : i32
    %scan3A_77 = arith.constant 0 : i32
    %scan3A_78 = arith.constant 63 : i32
    %scan3A_79 = arith.addi %scan3A_77, %scan3A_78 : i32
    %scan3A_80 = arith.constant 1 : i32
    scf.for %scan3A_400 = %scan3A_77 to %scan3A_79 step %scan3A_80  : i32 {
      %mul3A_401 = arith.constant 2 : i32
      %mul3A_402 = arith.muli %mul3A_401, %scan3A_400 : i32
      %get3A_403 = arith.index_cast %mul3A_402 : i32 to index
      %get3A_404 = tpu.vector_load %arg9[%get3A_403] {strides = array<i32>} : memref<144xi32, #tpu.memory_space<vmem>>, vector<16xi32>,
      %get3A_405 = vector.shape_cast %get3A_404 : vector<16xi32> to vector<16xi32>
      %slice3A_406 = vector.extract_strided_slice %get3A_405 {offsets = [0], sizes = [1], strides = [1]} : vector<16xi32> to vector<1xi32>
      %squeeze3A_407 = vector.extract %slice3A_406[0] : i32 from vector<1xi32>
      %add3A_408 = arith.constant 40 : i32
      %add3A_409 = arith.addi %squeeze3A_407, %add3A_408 : i32
      %sub3A_410 = arith.constant 1 : i32
      %sub3A_411 = arith.subi %add3A_409, %sub3A_410 : i32
      %jit3A_412 = arith.constant 40 : i32
      %div3A_413 = arith.divsi %sub3A_411, %jit3A_412 : i32
      %sign3A_414 = arith.constant 0 : i32
      %sign3A_415 = arith.cmpi sgt, %sub3A_411, %sign3A_414 : i32
      %sign3A_416 = arith.extui %sign3A_415 : i1 to i32
      %sign3A_417 = arith.constant 0 : i32
      %sign3A_418 = arith.cmpi slt, %sub3A_411, %sign3A_417 : i32
      %sign3A_419 = arith.extui %sign3A_418 : i1 to i32
      %sign3A_420 = arith.subi %sign3A_416, %sign3A_419 : i32
      %sign3A_421 = arith.constant 0 : i32
      %sign3A_422 = arith.cmpi sgt, %jit3A_412, %sign3A_421 : i32
      %sign3A_423 = arith.extui %sign3A_422 : i1 to i32
      %sign3A_424 = arith.constant 0 : i32
      %sign3A_425 = arith.cmpi slt, %jit3A_412, %sign3A_424 : i32
      %sign3A_426 = arith.extui %sign3A_425 : i1 to i32
      %sign3A_427 = arith.subi %sign3A_423, %sign3A_426 : i32
      %ne3A_428 = arith.cmpi ne, %sign3A_420, %sign3A_427 : i32
      %rem3A_429 = arith.remsi %sub3A_411, %jit3A_412 : i32
      %ne3A_430 = arith.constant 0 : i32
      %ne3A_431 = arith.cmpi ne, %rem3A_429, %ne3A_430 : i32
      %and3A_432 = arith.andi %ne3A_428, %ne3A_431 : i1
      %sub3A_433 = arith.constant 1 : i32
      %sub3A_434 = arith.subi %div3A_413, %sub3A_433 : i32
      %select_n3A_435 = arith.select %and3A_432, %sub3A_434, %div3A_413 : i32
      %while3A_436 = arith.constant 0 : i32
      %while3A_437 = arith.constant 0 : i32
      %while3A_438 = arith.subi %select_n3A_435, %while3A_437 : i32
      %while3A_439 = arith.addi %while3A_437, %while3A_438 : i32
      %while3A_440 = arith.constant 1 : i32
      %while3A_441 = arith.divsi %while3A_438, %while3A_440 : i32
      %while3A_442 = arith.muli %while3A_441, %while3A_440 : i32
      %while3A_443 = arith.addi %while3A_437, %while3A_442 : i32
      %while3A_444 = arith.constant 1 : i32
      scf.for %while3A_817 = %while3A_437 to %while3A_443 step %while3A_444  : i32 {
        %mul3A_818 = arith.constant 40 : i32
        %mul3A_819 = arith.muli %while3A_817, %mul3A_818 : i32
        %multiple_of3A = tpu.assume_multiple %mul3A_819, 40 : i32
        %dma_wait3A = arith.constant 0 : i32
        %dma_wait3A_820 = tpu.memref_slice %arg7[%multiple_of3A, %dma_wait3A] : memref<200x32xf32, #tpu.memory_space<vmem>> -> memref<40x32xf32, #tpu.memory_space<vmem>>
        %dma_wait3A_821 = tpu.memref_slice %arg6[%mul3A_402, %multiple_of3A] : memref<128x200xi32, #tpu.memory_space<vmem>> -> memref<1x40xi32, #tpu.memory_space<vmem>>
        %dma_wait3A_822 = tpu.memref_squeeze %dma_wait3A_821 : memref<1x40xi32, #tpu.memory_space<vmem>> -> memref<40xi32, #tpu.memory_space<vmem>>
        %dma_wait3A_823 = arith.constant 0 : i32
        %dma_wait3A_824 = arith.constant 0 : i32
        %dma_wait3A_825 = tpu.memref_slice %arg4[%dma_wait3A_823, %dma_wait3A_824] : memref<1000000x32xf32, #tpu.memory_space<hbm>> -> memref<1000000x32xf32, #tpu.memory_space<hbm>>
        tpu.wait_indirect_dma semaphore(%arg11 : memref<!tpu.dma_semaphore, #tpu.memory_space<semaphore_mem>>) src(%dma_wait3A_825 : memref<1000000x32xf32, #tpu.memory_space<hbm>>) dst(%dma_wait3A_820 : memref<40x32xf32, #tpu.memory_space<vmem>>)
      }
      %while3A_445 = arith.constant 1 : i32
      scf.for %while3A_817 = %while3A_443 to %while3A_439 step %while3A_445  : i32 {
        %mul3A_818 = arith.constant 40 : i32
        %mul3A_819 = arith.muli %while3A_817, %mul3A_818 : i32
        %multiple_of3A = tpu.assume_multiple %mul3A_819, 40 : i32
        %dma_wait3A = arith.constant 0 : i32
        %dma_wait3A_820 = tpu.memref_slice %arg7[%multiple_of3A, %dma_wait3A] : memref<200x32xf32, #tpu.memory_space<vmem>> -> memref<40x32xf32, #tpu.memory_space<vmem>>
        %dma_wait3A_821 = tpu.memref_slice %arg6[%mul3A_402, %multiple_of3A] : memref<128x200xi32, #tpu.memory_space<vmem>> -> memref<1x40xi32, #tpu.memory_space<vmem>>
        %dma_wait3A_822 = tpu.memref_squeeze %dma_wait3A_821 : memref<1x40xi32, #tpu.memory_space<vmem>> -> memref<40xi32, #tpu.memory_space<vmem>>
        %dma_wait3A_823 = arith.constant 0 : i32
        %dma_wait3A_824 = arith.constant 0 : i32
        %dma_wait3A_825 = tpu.memref_slice %arg4[%dma_wait3A_823, %dma_wait3A_824] : memref<1000000x32xf32, #tpu.memory_space<hbm>> -> memref<1000000x32xf32, #tpu.memory_space<hbm>>
        tpu.wait_indirect_dma semaphore(%arg11 : memref<!tpu.dma_semaphore, #tpu.memory_space<semaphore_mem>>) src(%dma_wait3A_825 : memref<1000000x32xf32, #tpu.memory_space<hbm>>) dst(%dma_wait3A_820 : memref<40x32xf32, #tpu.memory_space<vmem>>)
      }
      %get3A_446 = arith.index_cast %mul3A_402 : i32 to index
      %get3A_447 = tpu.vector_load %arg9[%get3A_446] {strides = array<i32>} : memref<144xi32, #tpu.memory_space<vmem>>, vector<16xi32>,
      %get3A_448 = vector.shape_cast %get3A_447 : vector<16xi32> to vector<16xi32>
      %slice3A_449 = vector.extract_strided_slice %get3A_448 {offsets = [0], sizes = [1], strides = [1]} : vector<16xi32> to vector<1xi32>
      %squeeze3A_450 = vector.extract %slice3A_449[0] : i32 from vector<1xi32>
      %shift_right_arithmetic3A_451 = arith.constant 2 : i32
      %shift_right_arithmetic3A_452 = arith.shrsi %squeeze3A_450, %shift_right_arithmetic3A_451 : i32
      %and3A_453 = arith.constant 3 : i32
      %and3A_454 = arith.andi %squeeze3A_450, %and3A_453 : i32
      %broadcast_in_dim3A_455 = arith.constant 0.000000e+00 : f32
      %broadcast_in_dim3A_456 = vector.broadcast %broadcast_in_dim3A_455 : f32 to vector<16xf32>
      %while3A_457 = arith.constant 0 : i32
      %while3A_458 = arith.subi %shift_right_arithmetic3A_452, %while3A_457 : i32
      %while3A_459 = arith.addi %while3A_457, %while3A_458 : i32
      %while3A_460 = arith.constant 1 : i32
      %while3A_461 = arith.divsi %while3A_458, %while3A_460 : i32
      %while3A_462 = arith.muli %while3A_461, %while3A_460 : i32
      %while3A_463 = arith.addi %while3A_457, %while3A_462 : i32
      %while3A_464 = arith.constant 1 : i32
      %while3A_465:2 = scf.for %while3A_817 = %while3A_457 to %while3A_463 step %while3A_464 iter_args(%while3A_818 = %broadcast_in_dim3A_456, %while3A_819 = %broadcast_in_dim3A_456) -> (vector<16xf32>, vector<16xf32>)  : i32 {
        %mul3A_820 = arith.constant 4 : i32
        %mul3A_821 = arith.muli %while3A_817, %mul3A_820 : i32
        %add3A_822 = arith.constant 0 : i32
        %add3A_823 = arith.addi %mul3A_821, %add3A_822 : i32
        %get3A_824 = arith.index_cast %add3A_823 : i32 to index
        %get3A_825 = arith.constant 0 : index
        %get3A_826 = tpu.vector_load %arg7[%get3A_824, %get3A_825] {strides = array<i32>} : memref<200x32xf32, #tpu.memory_space<vmem>>, vector<1x16xf32>,
        %get3A_827 = vector.shape_cast %get3A_826 : vector<1x16xf32> to vector<16xf32>
        %add3A_828 = arith.addf %while3A_818, %get3A_827 : vector<16xf32>
        %add3A_829 = arith.constant 0 : i32
        %add3A_830 = arith.addi %mul3A_821, %add3A_829 : i32
        %get3A_831 = arith.index_cast %add3A_830 : i32 to index
        %get3A_832 = arith.constant 16 : index
        %get3A_833 = tpu.vector_load %arg7[%get3A_831, %get3A_832] {strides = array<i32>} : memref<200x32xf32, #tpu.memory_space<vmem>>, vector<1x16xf32>,
        %get3A_834 = vector.shape_cast %get3A_833 : vector<1x16xf32> to vector<16xf32>
        %add3A_835 = arith.addf %while3A_819, %get3A_834 : vector<16xf32>
        %add3A_836 = arith.constant 1 : i32
        %add3A_837 = arith.addi %mul3A_821, %add3A_836 : i32
        %get3A_838 = arith.index_cast %add3A_837 : i32 to index
        %get3A_839 = arith.constant 0 : index
        %get3A_840 = tpu.vector_load %arg7[%get3A_838, %get3A_839] {strides = array<i32>} : memref<200x32xf32, #tpu.memory_space<vmem>>, vector<1x16xf32>,
        %get3A_841 = vector.shape_cast %get3A_840 : vector<1x16xf32> to vector<16xf32>
        %add3A_842 = arith.addf %add3A_828, %get3A_841 : vector<16xf32>
        %add3A_843 = arith.constant 1 : i32
        %add3A_844 = arith.addi %mul3A_821, %add3A_843 : i32
        %get3A_845 = arith.index_cast %add3A_844 : i32 to index
        %get3A_846 = arith.constant 16 : index
        %get3A_847 = tpu.vector_load %arg7[%get3A_845, %get3A_846] {strides = array<i32>} : memref<200x32xf32, #tpu.memory_space<vmem>>, vector<1x16xf32>,
        %get3A_848 = vector.shape_cast %get3A_847 : vector<1x16xf32> to vector<16xf32>
        %add3A_849 = arith.addf %add3A_835, %get3A_848 : vector<16xf32>
        %add3A_850 = arith.constant 2 : i32
        %add3A_851 = arith.addi %mul3A_821, %add3A_850 : i32
        %get3A_852 = arith.index_cast %add3A_851 : i32 to index
        %get3A_853 = arith.constant 0 : index
        %get3A_854 = tpu.vector_load %arg7[%get3A_852, %get3A_853] {strides = array<i32>} : memref<200x32xf32, #tpu.memory_space<vmem>>, vector<1x16xf32>,
        %get3A_855 = vector.shape_cast %get3A_854 : vector<1x16xf32> to vector<16xf32>
        %add3A_856 = arith.addf %add3A_842, %get3A_855 : vector<16xf32>
        %add3A_857 = arith.constant 2 : i32
        %add3A_858 = arith.addi %mul3A_821, %add3A_857 : i32
        %get3A_859 = arith.index_cast %add3A_858 : i32 to index
        %get3A_860 = arith.constant 16 : index
        %get3A_861 = tpu.vector_load %arg7[%get3A_859, %get3A_860] {strides = array<i32>} : memref<200x32xf32, #tpu.memory_space<vmem>>, vector<1x16xf32>,
        %get3A_862 = vector.shape_cast %get3A_861 : vector<1x16xf32> to vector<16xf32>
        %add3A_863 = arith.addf %add3A_849, %get3A_862 : vector<16xf32>
        %add3A_864 = arith.constant 3 : i32
        %add3A_865 = arith.addi %mul3A_821, %add3A_864 : i32
        %get3A_866 = arith.index_cast %add3A_865 : i32 to index
        %get3A_867 = arith.constant 0 : index
        %get3A_868 = tpu.vector_load %arg7[%get3A_866, %get3A_867] {strides = array<i32>} : memref<200x32xf32, #tpu.memory_space<vmem>>, vector<1x16xf32>,
        %get3A_869 = vector.shape_cast %get3A_868 : vector<1x16xf32> to vector<16xf32>
        %add3A_870 = arith.addf %add3A_856, %get3A_869 : vector<16xf32>
        %add3A_871 = arith.constant 3 : i32
        %add3A_872 = arith.addi %mul3A_821, %add3A_871 : i32
        %get3A_873 = arith.index_cast %add3A_872 : i32 to index
        %get3A_874 = arith.constant 16 : index
        %get3A_875 = tpu.vector_load %arg7[%get3A_873, %get3A_874] {strides = array<i32>} : memref<200x32xf32, #tpu.memory_space<vmem>>, vector<1x16xf32>,
        %get3A_876 = vector.shape_cast %get3A_875 : vector<1x16xf32> to vector<16xf32>
        %add3A_877 = arith.addf %add3A_863, %get3A_876 : vector<16xf32>
        scf.yield %add3A_870, %add3A_877 : vector<16xf32>, vector<16xf32>
      }
      %while3A_466 = arith.constant 1 : i32
      %while3A_467:2 = scf.for %while3A_817 = %while3A_463 to %while3A_459 step %while3A_466 iter_args(%while3A_818 = %while3A_465#0, %while3A_819 = %while3A_465#1) -> (vector<16xf32>, vector<16xf32>)  : i32 {
        %mul3A_820 = arith.constant 4 : i32
        %mul3A_821 = arith.muli %while3A_817, %mul3A_820 : i32
        %add3A_822 = arith.constant 0 : i32
        %add3A_823 = arith.addi %mul3A_821, %add3A_822 : i32
        %get3A_824 = arith.index_cast %add3A_823 : i32 to index
        %get3A_825 = arith.constant 0 : index
        %get3A_826 = tpu.vector_load %arg7[%get3A_824, %get3A_825] {strides = array<i32>} : memref<200x32xf32, #tpu.memory_space<vmem>>, vector<1x16xf32>,
        %get3A_827 = vector.shape_cast %get3A_826 : vector<1x16xf32> to vector<16xf32>
        %add3A_828 = arith.addf %while3A_818, %get3A_827 : vector<16xf32>
        %add3A_829 = arith.constant 0 : i32
        %add3A_830 = arith.addi %mul3A_821, %add3A_829 : i32
        %get3A_831 = arith.index_cast %add3A_830 : i32 to index
        %get3A_832 = arith.constant 16 : index
        %get3A_833 = tpu.vector_load %arg7[%get3A_831, %get3A_832] {strides = array<i32>} : memref<200x32xf32, #tpu.memory_space<vmem>>, vector<1x16xf32>,
        %get3A_834 = vector.shape_cast %get3A_833 : vector<1x16xf32> to vector<16xf32>
        %add3A_835 = arith.addf %while3A_819, %get3A_834 : vector<16xf32>
        %add3A_836 = arith.constant 1 : i32
        %add3A_837 = arith.addi %mul3A_821, %add3A_836 : i32
        %get3A_838 = arith.index_cast %add3A_837 : i32 to index
        %get3A_839 = arith.constant 0 : index
        %get3A_840 = tpu.vector_load %arg7[%get3A_838, %get3A_839] {strides = array<i32>} : memref<200x32xf32, #tpu.memory_space<vmem>>, vector<1x16xf32>,
        %get3A_841 = vector.shape_cast %get3A_840 : vector<1x16xf32> to vector<16xf32>
        %add3A_842 = arith.addf %add3A_828, %get3A_841 : vector<16xf32>
        %add3A_843 = arith.constant 1 : i32
        %add3A_844 = arith.addi %mul3A_821, %add3A_843 : i32
        %get3A_845 = arith.index_cast %add3A_844 : i32 to index
        %get3A_846 = arith.constant 16 : index
        %get3A_847 = tpu.vector_load %arg7[%get3A_845, %get3A_846] {strides = array<i32>} : memref<200x32xf32, #tpu.memory_space<vmem>>, vector<1x16xf32>,
        %get3A_848 = vector.shape_cast %get3A_847 : vector<1x16xf32> to vector<16xf32>
        %add3A_849 = arith.addf %add3A_835, %get3A_848 : vector<16xf32>
        %add3A_850 = arith.constant 2 : i32
        %add3A_851 = arith.addi %mul3A_821, %add3A_850 : i32
        %get3A_852 = arith.index_cast %add3A_851 : i32 to index
        %get3A_853 = arith.constant 0 : index
        %get3A_854 = tpu.vector_load %arg7[%get3A_852, %get3A_853] {strides = array<i32>} : memref<200x32xf32, #tpu.memory_space<vmem>>, vector<1x16xf32>,
        %get3A_855 = vector.shape_cast %get3A_854 : vector<1x16xf32> to vector<16xf32>
        %add3A_856 = arith.addf %add3A_842, %get3A_855 : vector<16xf32>
        %add3A_857 = arith.constant 2 : i32
        %add3A_858 = arith.addi %mul3A_821, %add3A_857 : i32
        %get3A_859 = arith.index_cast %add3A_858 : i32 to index
        %get3A_860 = arith.constant 16 : index
        %get3A_861 = tpu.vector_load %arg7[%get3A_859, %get3A_860] {strides = array<i32>} : memref<200x32xf32, #tpu.memory_space<vmem>>, vector<1x16xf32>,
        %get3A_862 = vector.shape_cast %get3A_861 : vector<1x16xf32> to vector<16xf32>
        %add3A_863 = arith.addf %add3A_849, %get3A_862 : vector<16xf32>
        %add3A_864 = arith.constant 3 : i32
        %add3A_865 = arith.addi %mul3A_821, %add3A_864 : i32
        %get3A_866 = arith.index_cast %add3A_865 : i32 to index
        %get3A_867 = arith.constant 0 : index
        %get3A_868 = tpu.vector_load %arg7[%get3A_866, %get3A_867] {strides = array<i32>} : memref<200x32xf32, #tpu.memory_space<vmem>>, vector<1x16xf32>,
        %get3A_869 = vector.shape_cast %get3A_868 : vector<1x16xf32> to vector<16xf32>
        %add3A_870 = arith.addf %add3A_856, %get3A_869 : vector<16xf32>
        %add3A_871 = arith.constant 3 : i32
        %add3A_872 = arith.addi %mul3A_821, %add3A_871 : i32
        %get3A_873 = arith.index_cast %add3A_872 : i32 to index
        %get3A_874 = arith.constant 16 : index
        %get3A_875 = tpu.vector_load %arg7[%get3A_873, %get3A_874] {strides = array<i32>} : memref<200x32xf32, #tpu.memory_space<vmem>>, vector<1x16xf32>,
        %get3A_876 = vector.shape_cast %get3A_875 : vector<1x16xf32> to vector<16xf32>
        %add3A_877 = arith.addf %add3A_863, %get3A_876 : vector<16xf32>
        scf.yield %add3A_870, %add3A_877 : vector<16xf32>, vector<16xf32>
      }
      %mul3A_468 = arith.constant 4 : i32
      %mul3A_469 = arith.muli %shift_right_arithmetic3A_452, %mul3A_468 : i32
      %broadcast_in_dim3A_470 = vector.broadcast %and3A_454 : i32 to vector<16xi32>
      %broadcast_in_dim3A_471 = arith.constant 0 : i32
      %broadcast_in_dim3A_472 = vector.broadcast %broadcast_in_dim3A_471 : i32 to vector<16xi32>
      %sub3A_473 = arith.subi %broadcast_in_dim3A_470, %broadcast_in_dim3A_472 : vector<16xi32>
      %max3A_474 = arith.constant 0 : i32
      %max3A_475 = vector.broadcast %max3A_474 : i32 to vector<16xi32>
      %max3A_476 = arith.maxsi %sub3A_473, %max3A_475 : vector<16xi32>
      %min3A_477 = arith.constant 1 : i32
      %min3A_478 = vector.broadcast %min3A_477 : i32 to vector<16xi32>
      %min3A_479 = arith.minsi %max3A_476, %min3A_478 : vector<16xi32>
      %convert_element_type3A_480 = arith.sitofp %min3A_479 : vector<16xi32> to vector<16xf32>
      %add3A_481 = arith.constant 0 : i32
      %add3A_482 = arith.addi %mul3A_469, %add3A_481 : i32
      %get3A_483 = arith.index_cast %add3A_482 : i32 to index
      %get3A_484 = arith.constant 0 : index
      %get3A_485 = tpu.vector_load %arg7[%get3A_483, %get3A_484] {strides = array<i32>} : memref<200x32xf32, #tpu.memory_space<vmem>>, vector<1x16xf32>,
      %get3A_486 = vector.shape_cast %get3A_485 : vector<1x16xf32> to vector<16xf32>
      %mul3A_487 = arith.mulf %get3A_486, %convert_element_type3A_480 : vector<16xf32>
      %add3A_488 = arith.addf %while3A_467#0, %mul3A_487 : vector<16xf32>
      %add3A_489 = arith.constant 0 : i32
      %add3A_490 = arith.addi %mul3A_469, %add3A_489 : i32
      %get3A_491 = arith.index_cast %add3A_490 : i32 to index
      %get3A_492 = arith.constant 16 : index
      %get3A_493 = tpu.vector_load %arg7[%get3A_491, %get3A_492] {strides = array<i32>} : memref<200x32xf32, #tpu.memory_space<vmem>>, vector<1x16xf32>,
      %get3A_494 = vector.shape_cast %get3A_493 : vector<1x16xf32> to vector<16xf32>
      %mul3A_495 = arith.mulf %get3A_494, %convert_element_type3A_480 : vector<16xf32>
      %add3A_496 = arith.addf %while3A_467#1, %mul3A_495 : vector<16xf32>
      %broadcast_in_dim3A_497 = arith.constant 1 : i32
      %broadcast_in_dim3A_498 = vector.broadcast %broadcast_in_dim3A_497 : i32 to vector<16xi32>
      %sub3A_499 = arith.subi %broadcast_in_dim3A_470, %broadcast_in_dim3A_498 : vector<16xi32>
      %max3A_500 = arith.constant 0 : i32
      %max3A_501 = vector.broadcast %max3A_500 : i32 to vector<16xi32>
      %max3A_502 = arith.maxsi %sub3A_499, %max3A_501 : vector<16xi32>
      %min3A_503 = arith.constant 1 : i32
      %min3A_504 = vector.broadcast %min3A_503 : i32 to vector<16xi32>
      %min3A_505 = arith.minsi %max3A_502, %min3A_504 : vector<16xi32>
      %convert_element_type3A_506 = arith.sitofp %min3A_505 : vector<16xi32> to vector<16xf32>
      %add3A_507 = arith.constant 1 : i32
      %add3A_508 = arith.addi %mul3A_469, %add3A_507 : i32
      %get3A_509 = arith.index_cast %add3A_508 : i32 to index
      %get3A_510 = arith.constant 0 : index
      %get3A_511 = tpu.vector_load %arg7[%get3A_509, %get3A_510] {strides = array<i32>} : memref<200x32xf32, #tpu.memory_space<vmem>>, vector<1x16xf32>,
      %get3A_512 = vector.shape_cast %get3A_511 : vector<1x16xf32> to vector<16xf32>
      %mul3A_513 = arith.mulf %get3A_512, %convert_element_type3A_506 : vector<16xf32>
      %add3A_514 = arith.addf %add3A_488, %mul3A_513 : vector<16xf32>
      %add3A_515 = arith.constant 1 : i32
      %add3A_516 = arith.addi %mul3A_469, %add3A_515 : i32
      %get3A_517 = arith.index_cast %add3A_516 : i32 to index
      %get3A_518 = arith.constant 16 : index
      %get3A_519 = tpu.vector_load %arg7[%get3A_517, %get3A_518] {strides = array<i32>} : memref<200x32xf32, #tpu.memory_space<vmem>>, vector<1x16xf32>,
      %get3A_520 = vector.shape_cast %get3A_519 : vector<1x16xf32> to vector<16xf32>
      %mul3A_521 = arith.mulf %get3A_520, %convert_element_type3A_506 : vector<16xf32>
      %add3A_522 = arith.addf %add3A_496, %mul3A_521 : vector<16xf32>
      %broadcast_in_dim3A_523 = arith.constant 2 : i32
      %broadcast_in_dim3A_524 = vector.broadcast %broadcast_in_dim3A_523 : i32 to vector<16xi32>
      %sub3A_525 = arith.subi %broadcast_in_dim3A_470, %broadcast_in_dim3A_524 : vector<16xi32>
      %max3A_526 = arith.constant 0 : i32
      %max3A_527 = vector.broadcast %max3A_526 : i32 to vector<16xi32>
      %max3A_528 = arith.maxsi %sub3A_525, %max3A_527 : vector<16xi32>
      %min3A_529 = arith.constant 1 : i32
      %min3A_530 = vector.broadcast %min3A_529 : i32 to vector<16xi32>
      %min3A_531 = arith.minsi %max3A_528, %min3A_530 : vector<16xi32>
      %convert_element_type3A_532 = arith.sitofp %min3A_531 : vector<16xi32> to vector<16xf32>
      %add3A_533 = arith.constant 2 : i32
      %add3A_534 = arith.addi %mul3A_469, %add3A_533 : i32
      %get3A_535 = arith.index_cast %add3A_534 : i32 to index
      %get3A_536 = arith.constant 0 : index
      %get3A_537 = tpu.vector_load %arg7[%get3A_535, %get3A_536] {strides = array<i32>} : memref<200x32xf32, #tpu.memory_space<vmem>>, vector<1x16xf32>,
      %get3A_538 = vector.shape_cast %get3A_537 : vector<1x16xf32> to vector<16xf32>
      %mul3A_539 = arith.mulf %get3A_538, %convert_element_type3A_532 : vector<16xf32>
      %add3A_540 = arith.addf %add3A_514, %mul3A_539 : vector<16xf32>
      %add3A_541 = arith.constant 2 : i32
      %add3A_542 = arith.addi %mul3A_469, %add3A_541 : i32
      %get3A_543 = arith.index_cast %add3A_542 : i32 to index
      %get3A_544 = arith.constant 16 : index
      %get3A_545 = tpu.vector_load %arg7[%get3A_543, %get3A_544] {strides = array<i32>} : memref<200x32xf32, #tpu.memory_space<vmem>>, vector<1x16xf32>,
      %get3A_546 = vector.shape_cast %get3A_545 : vector<1x16xf32> to vector<16xf32>
      %mul3A_547 = arith.mulf %get3A_546, %convert_element_type3A_532 : vector<16xf32>
      %add3A_548 = arith.addf %add3A_522, %mul3A_547 : vector<16xf32>
      %broadcast_in_dim3A_549 = vector.broadcast %squeeze3A_450 : i32 to vector<16xi32>
      %convert_element_type3A_550 = arith.sitofp %broadcast_in_dim3A_549 : vector<16xi32> to vector<16xf32>
      %div3A_551 = arith.divf %add3A_540, %convert_element_type3A_550 : vector<16xf32>
      %swap3A_552 = arith.index_cast %mul3A_402 : i32 to index
      %swap3A_553 = arith.constant 0 : index
      %swap3A_554 = tpu.vector_load %arg10[%swap3A_552, %swap3A_553] {strides = array<i32>} : memref<128x32xf32, #tpu.memory_space<vmem>>, vector<1x16xf32>,
      %swap3A_555 = vector.shape_cast %swap3A_554 : vector<1x16xf32> to vector<16xf32>
      %swap3A_556 = vector.shape_cast %div3A_551 : vector<16xf32> to vector<1x16xf32>
      tpu.vector_store %arg10[%swap3A_552, %swap3A_553], %swap3A_556 {strides = array<i32>} : memref<128x32xf32, #tpu.memory_space<vmem>>, vector<1x16xf32>,
      %div3A_557 = arith.divf %add3A_548, %convert_element_type3A_550 : vector<16xf32>
      %swap3A_558 = arith.index_cast %mul3A_402 : i32 to index
      %swap3A_559 = arith.constant 16 : index
      %swap3A_560 = tpu.vector_load %arg10[%swap3A_558, %swap3A_559] {strides = array<i32>} : memref<128x32xf32, #tpu.memory_space<vmem>>, vector<1x16xf32>,
      %swap3A_561 = vector.shape_cast %swap3A_560 : vector<1x16xf32> to vector<16xf32>
      %swap3A_562 = vector.shape_cast %div3A_557 : vector<16xf32> to vector<1x16xf32>
      tpu.vector_store %arg10[%swap3A_558, %swap3A_559], %swap3A_562 {strides = array<i32>} : memref<128x32xf32, #tpu.memory_space<vmem>>, vector<1x16xf32>,
      %add3A_563 = arith.constant 2 : i32
      %add3A_564 = arith.addi %mul3A_402, %add3A_563 : i32
      %get3A_565 = arith.index_cast %add3A_564 : i32 to index
      %get3A_566 = tpu.vector_load %arg9[%get3A_565] {strides = array<i32>} : memref<144xi32, #tpu.memory_space<vmem>>, vector<16xi32>,
      %get3A_567 = vector.shape_cast %get3A_566 : vector<16xi32> to vector<16xi32>
      %slice3A_568 = vector.extract_strided_slice %get3A_567 {offsets = [0], sizes = [1], strides = [1]} : vector<16xi32> to vector<1xi32>
      %squeeze3A_569 = vector.extract %slice3A_568[0] : i32 from vector<1xi32>
      %add3A_570 = arith.constant 40 : i32
      %add3A_571 = arith.addi %squeeze3A_569, %add3A_570 : i32
      %sub3A_572 = arith.constant 1 : i32
      %sub3A_573 = arith.subi %add3A_571, %sub3A_572 : i32
      %jit3A_574 = arith.constant 40 : i32
      %div3A_575 = arith.divsi %sub3A_573, %jit3A_574 : i32
      %sign3A_576 = arith.constant 0 : i32
      %sign3A_577 = arith.cmpi sgt, %sub3A_573, %sign3A_576 : i32
      %sign3A_578 = arith.extui %sign3A_577 : i1 to i32
      %sign3A_579 = arith.constant 0 : i32
      %sign3A_580 = arith.cmpi slt, %sub3A_573, %sign3A_579 : i32
      %sign3A_581 = arith.extui %sign3A_580 : i1 to i32
      %sign3A_582 = arith.subi %sign3A_578, %sign3A_581 : i32
      %sign3A_583 = arith.constant 0 : i32
      %sign3A_584 = arith.cmpi sgt, %jit3A_574, %sign3A_583 : i32
      %sign3A_585 = arith.extui %sign3A_584 : i1 to i32
      %sign3A_586 = arith.constant 0 : i32
      %sign3A_587 = arith.cmpi slt, %jit3A_574, %sign3A_586 : i32
      %sign3A_588 = arith.extui %sign3A_587 : i1 to i32
      %sign3A_589 = arith.subi %sign3A_585, %sign3A_588 : i32
      %ne3A_590 = arith.cmpi ne, %sign3A_582, %sign3A_589 : i32
      %rem3A_591 = arith.remsi %sub3A_573, %jit3A_574 : i32
      %ne3A_592 = arith.constant 0 : i32
      %ne3A_593 = arith.cmpi ne, %rem3A_591, %ne3A_592 : i32
      %and3A_594 = arith.andi %ne3A_590, %ne3A_593 : i1
      %sub3A_595 = arith.constant 1 : i32
      %sub3A_596 = arith.subi %div3A_575, %sub3A_595 : i32
      %select_n3A_597 = arith.select %and3A_594, %sub3A_596, %div3A_575 : i32
      %while3A_598 = arith.constant 0 : i32
      %while3A_599 = arith.constant 0 : i32
      %while3A_600 = arith.subi %select_n3A_597, %while3A_599 : i32
      %while3A_601 = arith.addi %while3A_599, %while3A_600 : i32
      %while3A_602 = arith.constant 1 : i32
      %while3A_603 = arith.divsi %while3A_600, %while3A_602 : i32
      %while3A_604 = arith.muli %while3A_603, %while3A_602 : i32
      %while3A_605 = arith.addi %while3A_599, %while3A_604 : i32
      %while3A_606 = arith.constant 1 : i32
      scf.for %while3A_817 = %while3A_599 to %while3A_605 step %while3A_606  : i32 {
        %mul3A_818 = arith.constant 40 : i32
        %mul3A_819 = arith.muli %while3A_817, %mul3A_818 : i32
        %multiple_of3A = tpu.assume_multiple %mul3A_819, 40 : i32
        %dma_start3A = arith.constant 0 : i32
        %dma_start3A_820 = tpu.memref_slice %arg7[%multiple_of3A, %dma_start3A] : memref<200x32xf32, #tpu.memory_space<vmem>> -> memref<40x32xf32, #tpu.memory_space<vmem>>
        %dma_start3A_821 = tpu.memref_slice %arg6[%add3A_564, %multiple_of3A] : memref<128x200xi32, #tpu.memory_space<vmem>> -> memref<1x40xi32, #tpu.memory_space<vmem>>
        %dma_start3A_822 = tpu.memref_squeeze %dma_start3A_821 : memref<1x40xi32, #tpu.memory_space<vmem>> -> memref<40xi32, #tpu.memory_space<vmem>>
        %dma_start3A_823 = arith.constant 0 : i32
        %dma_start3A_824 = arith.constant 0 : i32
        %dma_start3A_825 = tpu.memref_slice %arg4[%dma_start3A_823, %dma_start3A_824] : memref<1000000x32xf32, #tpu.memory_space<hbm>> -> memref<1000000x32xf32, #tpu.memory_space<hbm>>
        tpu.enqueue_indirect_dma source(%dma_start3A_825 : memref<1000000x32xf32, #tpu.memory_space<hbm>>) target(%dma_start3A_820 : memref<40x32xf32, #tpu.memory_space<vmem>>) offsets(%dma_start3A_822 : memref<40xi32, #tpu.memory_space<vmem>>) semaphore(%arg11 : memref<!tpu.dma_semaphore, #tpu.memory_space<semaphore_mem>>)
      }
      %while3A_607 = arith.constant 1 : i32
      scf.for %while3A_817 = %while3A_605 to %while3A_601 step %while3A_607  : i32 {
        %mul3A_818 = arith.constant 40 : i32
        %mul3A_819 = arith.muli %while3A_817, %mul3A_818 : i32
        %multiple_of3A = tpu.assume_multiple %mul3A_819, 40 : i32
        %dma_start3A = arith.constant 0 : i32
        %dma_start3A_820 = tpu.memref_slice %arg7[%multiple_of3A, %dma_start3A] : memref<200x32xf32, #tpu.memory_space<vmem>> -> memref<40x32xf32, #tpu.memory_space<vmem>>
        %dma_start3A_821 = tpu.memref_slice %arg6[%add3A_564, %multiple_of3A] : memref<128x200xi32, #tpu.memory_space<vmem>> -> memref<1x40xi32, #tpu.memory_space<vmem>>
        %dma_start3A_822 = tpu.memref_squeeze %dma_start3A_821 : memref<1x40xi32, #tpu.memory_space<vmem>> -> memref<40xi32, #tpu.memory_space<vmem>>
        %dma_start3A_823 = arith.constant 0 : i32
        %dma_start3A_824 = arith.constant 0 : i32
        %dma_start3A_825 = tpu.memref_slice %arg4[%dma_start3A_823, %dma_start3A_824] : memref<1000000x32xf32, #tpu.memory_space<hbm>> -> memref<1000000x32xf32, #tpu.memory_space<hbm>>
        tpu.enqueue_indirect_dma source(%dma_start3A_825 : memref<1000000x32xf32, #tpu.memory_space<hbm>>) target(%dma_start3A_820 : memref<40x32xf32, #tpu.memory_space<vmem>>) offsets(%dma_start3A_822 : memref<40xi32, #tpu.memory_space<vmem>>) semaphore(%arg11 : memref<!tpu.dma_semaphore, #tpu.memory_space<semaphore_mem>>)
      }
      %add3A_608 = arith.constant 1 : i32
      %add3A_609 = arith.addi %mul3A_402, %add3A_608 : i32
      %get3A_610 = arith.index_cast %add3A_609 : i32 to index
      %get3A_611 = tpu.vector_load %arg9[%get3A_610] {strides = array<i32>} : memref<144xi32, #tpu.memory_space<vmem>>, vector<16xi32>,
      %get3A_612 = vector.shape_cast %get3A_611 : vector<16xi32> to vector<16xi32>
      %slice3A_613 = vector.extract_strided_slice %get3A_612 {offsets = [0], sizes = [1], strides = [1]} : vector<16xi32> to vector<1xi32>
      %squeeze3A_614 = vector.extract %slice3A_613[0] : i32 from vector<1xi32>
      %add3A_615 = arith.constant 40 : i32
      %add3A_616 = arith.addi %squeeze3A_614, %add3A_615 : i32
      %sub3A_617 = arith.constant 1 : i32
      %sub3A_618 = arith.subi %add3A_616, %sub3A_617 : i32
      %jit3A_619 = arith.constant 40 : i32
      %div3A_620 = arith.divsi %sub3A_618, %jit3A_619 : i32
      %sign3A_621 = arith.constant 0 : i32
      %sign3A_622 = arith.cmpi sgt, %sub3A_618, %sign3A_621 : i32
      %sign3A_623 = arith.extui %sign3A_622 : i1 to i32
      %sign3A_624 = arith.constant 0 : i32
      %sign3A_625 = arith.cmpi slt, %sub3A_618, %sign3A_624 : i32
      %sign3A_626 = arith.extui %sign3A_625 : i1 to i32
      %sign3A_627 = arith.subi %sign3A_623, %sign3A_626 : i32
      %sign3A_628 = arith.constant 0 : i32
      %sign3A_629 = arith.cmpi sgt, %jit3A_619, %sign3A_628 : i32
      %sign3A_630 = arith.extui %sign3A_629 : i1 to i32
      %sign3A_631 = arith.constant 0 : i32
      %sign3A_632 = arith.cmpi slt, %jit3A_619, %sign3A_631 : i32
      %sign3A_633 = arith.extui %sign3A_632 : i1 to i32
      %sign3A_634 = arith.subi %sign3A_630, %sign3A_633 : i32
      %ne3A_635 = arith.cmpi ne, %sign3A_627, %sign3A_634 : i32
      %rem3A_636 = arith.remsi %sub3A_618, %jit3A_619 : i32
      %ne3A_637 = arith.constant 0 : i32
      %ne3A_638 = arith.cmpi ne, %rem3A_636, %ne3A_637 : i32
      %and3A_639 = arith.andi %ne3A_635, %ne3A_638 : i1
      %sub3A_640 = arith.constant 1 : i32
      %sub3A_641 = arith.subi %div3A_620, %sub3A_640 : i32
      %select_n3A_642 = arith.select %and3A_639, %sub3A_641, %div3A_620 : i32
      %while3A_643 = arith.constant 0 : i32
      %while3A_644 = arith.constant 0 : i32
      %while3A_645 = arith.subi %select_n3A_642, %while3A_644 : i32
      %while3A_646 = arith.addi %while3A_644, %while3A_645 : i32
      %while3A_647 = arith.constant 1 : i32
      %while3A_648 = arith.divsi %while3A_645, %while3A_647 : i32
      %while3A_649 = arith.muli %while3A_648, %while3A_647 : i32
      %while3A_650 = arith.addi %while3A_644, %while3A_649 : i32
      %while3A_651 = arith.constant 1 : i32
      scf.for %while3A_817 = %while3A_644 to %while3A_650 step %while3A_651  : i32 {
        %mul3A_818 = arith.constant 40 : i32
        %mul3A_819 = arith.muli %while3A_817, %mul3A_818 : i32
        %multiple_of3A = tpu.assume_multiple %mul3A_819, 40 : i32
        %dma_wait3A = arith.constant 0 : i32
        %dma_wait3A_820 = tpu.memref_slice %arg8[%multiple_of3A, %dma_wait3A] : memref<200x32xf32, #tpu.memory_space<vmem>> -> memref<40x32xf32, #tpu.memory_space<vmem>>
        %dma_wait3A_821 = tpu.memref_slice %arg6[%add3A_609, %multiple_of3A] : memref<128x200xi32, #tpu.memory_space<vmem>> -> memref<1x40xi32, #tpu.memory_space<vmem>>
        %dma_wait3A_822 = tpu.memref_squeeze %dma_wait3A_821 : memref<1x40xi32, #tpu.memory_space<vmem>> -> memref<40xi32, #tpu.memory_space<vmem>>
        %dma_wait3A_823 = arith.constant 0 : i32
        %dma_wait3A_824 = arith.constant 0 : i32
        %dma_wait3A_825 = tpu.memref_slice %arg4[%dma_wait3A_823, %dma_wait3A_824] : memref<1000000x32xf32, #tpu.memory_space<hbm>> -> memref<1000000x32xf32, #tpu.memory_space<hbm>>
        tpu.wait_indirect_dma semaphore(%arg12 : memref<!tpu.dma_semaphore, #tpu.memory_space<semaphore_mem>>) src(%dma_wait3A_825 : memref<1000000x32xf32, #tpu.memory_space<hbm>>) dst(%dma_wait3A_820 : memref<40x32xf32, #tpu.memory_space<vmem>>)
      }
      %while3A_652 = arith.constant 1 : i32
      scf.for %while3A_817 = %while3A_650 to %while3A_646 step %while3A_652  : i32 {
        %mul3A_818 = arith.constant 40 : i32
        %mul3A_819 = arith.muli %while3A_817, %mul3A_818 : i32
        %multiple_of3A = tpu.assume_multiple %mul3A_819, 40 : i32
        %dma_wait3A = arith.constant 0 : i32
        %dma_wait3A_820 = tpu.memref_slice %arg8[%multiple_of3A, %dma_wait3A] : memref<200x32xf32, #tpu.memory_space<vmem>> -> memref<40x32xf32, #tpu.memory_space<vmem>>
        %dma_wait3A_821 = tpu.memref_slice %arg6[%add3A_609, %multiple_of3A] : memref<128x200xi32, #tpu.memory_space<vmem>> -> memref<1x40xi32, #tpu.memory_space<vmem>>
        %dma_wait3A_822 = tpu.memref_squeeze %dma_wait3A_821 : memref<1x40xi32, #tpu.memory_space<vmem>> -> memref<40xi32, #tpu.memory_space<vmem>>
        %dma_wait3A_823 = arith.constant 0 : i32
        %dma_wait3A_824 = arith.constant 0 : i32
        %dma_wait3A_825 = tpu.memref_slice %arg4[%dma_wait3A_823, %dma_wait3A_824] : memref<1000000x32xf32, #tpu.memory_space<hbm>> -> memref<1000000x32xf32, #tpu.memory_space<hbm>>
        tpu.wait_indirect_dma semaphore(%arg12 : memref<!tpu.dma_semaphore, #tpu.memory_space<semaphore_mem>>) src(%dma_wait3A_825 : memref<1000000x32xf32, #tpu.memory_space<hbm>>) dst(%dma_wait3A_820 : memref<40x32xf32, #tpu.memory_space<vmem>>)
      }
      %add3A_653 = arith.constant 1 : i32
      %add3A_654 = arith.addi %mul3A_402, %add3A_653 : i32
      %get3A_655 = arith.index_cast %add3A_654 : i32 to index
      %get3A_656 = tpu.vector_load %arg9[%get3A_655] {strides = array<i32>} : memref<144xi32, #tpu.memory_space<vmem>>, vector<16xi32>,
      %get3A_657 = vector.shape_cast %get3A_656 : vector<16xi32> to vector<16xi32>
      %slice3A_658 = vector.extract_strided_slice %get3A_657 {offsets = [0], sizes = [1], strides = [1]} : vector<16xi32> to vector<1xi32>
      %squeeze3A_659 = vector.extract %slice3A_658[0] : i32 from vector<1xi32>
      %shift_right_arithmetic3A_660 = arith.constant 2 : i32
      %shift_right_arithmetic3A_661 = arith.shrsi %squeeze3A_659, %shift_right_arithmetic3A_660 : i32
      %and3A_662 = arith.constant 3 : i32
      %and3A_663 = arith.andi %squeeze3A_659, %and3A_662 : i32
      %broadcast_in_dim3A_664 = arith.constant 0.000000e+00 : f32
      %broadcast_in_dim3A_665 = vector.broadcast %broadcast_in_dim3A_664 : f32 to vector<16xf32>
      %while3A_666 = arith.constant 0 : i32
      %while3A_667 = arith.subi %shift_right_arithmetic3A_661, %while3A_666 : i32
      %while3A_668 = arith.addi %while3A_666, %while3A_667 : i32
      %while3A_669 = arith.constant 1 : i32
      %while3A_670 = arith.divsi %while3A_667, %while3A_669 : i32
      %while3A_671 = arith.muli %while3A_670, %while3A_669 : i32
      %while3A_672 = arith.addi %while3A_666, %while3A_671 : i32
      %while3A_673 = arith.constant 1 : i32
      %while3A_674:2 = scf.for %while3A_817 = %while3A_666 to %while3A_672 step %while3A_673 iter_args(%while3A_818 = %broadcast_in_dim3A_665, %while3A_819 = %broadcast_in_dim3A_665) -> (vector<16xf32>, vector<16xf32>)  : i32 {
        %mul3A_820 = arith.constant 4 : i32
        %mul3A_821 = arith.muli %while3A_817, %mul3A_820 : i32
        %add3A_822 = arith.constant 0 : i32
        %add3A_823 = arith.addi %mul3A_821, %add3A_822 : i32
        %get3A_824 = arith.index_cast %add3A_823 : i32 to index
        %get3A_825 = arith.constant 0 : index
        %get3A_826 = tpu.vector_load %arg8[%get3A_824, %get3A_825] {strides = array<i32>} : memref<200x32xf32, #tpu.memory_space<vmem>>, vector<1x16xf32>,
        %get3A_827 = vector.shape_cast %get3A_826 : vector<1x16xf32> to vector<16xf32>
        %add3A_828 = arith.addf %while3A_818, %get3A_827 : vector<16xf32>
        %add3A_829 = arith.constant 0 : i32
        %add3A_830 = arith.addi %mul3A_821, %add3A_829 : i32
        %get3A_831 = arith.index_cast %add3A_830 : i32 to index
        %get3A_832 = arith.constant 16 : index
        %get3A_833 = tpu.vector_load %arg8[%get3A_831, %get3A_832] {strides = array<i32>} : memref<200x32xf32, #tpu.memory_space<vmem>>, vector<1x16xf32>,
        %get3A_834 = vector.shape_cast %get3A_833 : vector<1x16xf32> to vector<16xf32>
        %add3A_835 = arith.addf %while3A_819, %get3A_834 : vector<16xf32>
        %add3A_836 = arith.constant 1 : i32
        %add3A_837 = arith.addi %mul3A_821, %add3A_836 : i32
        %get3A_838 = arith.index_cast %add3A_837 : i32 to index
        %get3A_839 = arith.constant 0 : index
        %get3A_840 = tpu.vector_load %arg8[%get3A_838, %get3A_839] {strides = array<i32>} : memref<200x32xf32, #tpu.memory_space<vmem>>, vector<1x16xf32>,
        %get3A_841 = vector.shape_cast %get3A_840 : vector<1x16xf32> to vector<16xf32>
        %add3A_842 = arith.addf %add3A_828, %get3A_841 : vector<16xf32>
        %add3A_843 = arith.constant 1 : i32
        %add3A_844 = arith.addi %mul3A_821, %add3A_843 : i32
        %get3A_845 = arith.index_cast %add3A_844 : i32 to index
        %get3A_846 = arith.constant 16 : index
        %get3A_847 = tpu.vector_load %arg8[%get3A_845, %get3A_846] {strides = array<i32>} : memref<200x32xf32, #tpu.memory_space<vmem>>, vector<1x16xf32>,
        %get3A_848 = vector.shape_cast %get3A_847 : vector<1x16xf32> to vector<16xf32>
        %add3A_849 = arith.addf %add3A_835, %get3A_848 : vector<16xf32>
        %add3A_850 = arith.constant 2 : i32
        %add3A_851 = arith.addi %mul3A_821, %add3A_850 : i32
        %get3A_852 = arith.index_cast %add3A_851 : i32 to index
        %get3A_853 = arith.constant 0 : index
        %get3A_854 = tpu.vector_load %arg8[%get3A_852, %get3A_853] {strides = array<i32>} : memref<200x32xf32, #tpu.memory_space<vmem>>, vector<1x16xf32>,
        %get3A_855 = vector.shape_cast %get3A_854 : vector<1x16xf32> to vector<16xf32>
        %add3A_856 = arith.addf %add3A_842, %get3A_855 : vector<16xf32>
        %add3A_857 = arith.constant 2 : i32
        %add3A_858 = arith.addi %mul3A_821, %add3A_857 : i32
        %get3A_859 = arith.index_cast %add3A_858 : i32 to index
        %get3A_860 = arith.constant 16 : index
        %get3A_861 = tpu.vector_load %arg8[%get3A_859, %get3A_860] {strides = array<i32>} : memref<200x32xf32, #tpu.memory_space<vmem>>, vector<1x16xf32>,
        %get3A_862 = vector.shape_cast %get3A_861 : vector<1x16xf32> to vector<16xf32>
        %add3A_863 = arith.addf %add3A_849, %get3A_862 : vector<16xf32>
        %add3A_864 = arith.constant 3 : i32
        %add3A_865 = arith.addi %mul3A_821, %add3A_864 : i32
        %get3A_866 = arith.index_cast %add3A_865 : i32 to index
        %get3A_867 = arith.constant 0 : index
        %get3A_868 = tpu.vector_load %arg8[%get3A_866, %get3A_867] {strides = array<i32>} : memref<200x32xf32, #tpu.memory_space<vmem>>, vector<1x16xf32>,
        %get3A_869 = vector.shape_cast %get3A_868 : vector<1x16xf32> to vector<16xf32>
        %add3A_870 = arith.addf %add3A_856, %get3A_869 : vector<16xf32>
        %add3A_871 = arith.constant 3 : i32
        %add3A_872 = arith.addi %mul3A_821, %add3A_871 : i32
        %get3A_873 = arith.index_cast %add3A_872 : i32 to index
        %get3A_874 = arith.constant 16 : index
        %get3A_875 = tpu.vector_load %arg8[%get3A_873, %get3A_874] {strides = array<i32>} : memref<200x32xf32, #tpu.memory_space<vmem>>, vector<1x16xf32>,
        %get3A_876 = vector.shape_cast %get3A_875 : vector<1x16xf32> to vector<16xf32>
        %add3A_877 = arith.addf %add3A_863, %get3A_876 : vector<16xf32>
        scf.yield %add3A_870, %add3A_877 : vector<16xf32>, vector<16xf32>
      }
      %while3A_675 = arith.constant 1 : i32
      %while3A_676:2 = scf.for %while3A_817 = %while3A_672 to %while3A_668 step %while3A_675 iter_args(%while3A_818 = %while3A_674#0, %while3A_819 = %while3A_674#1) -> (vector<16xf32>, vector<16xf32>)  : i32 {
        %mul3A_820 = arith.constant 4 : i32
        %mul3A_821 = arith.muli %while3A_817, %mul3A_820 : i32
        %add3A_822 = arith.constant 0 : i32
        %add3A_823 = arith.addi %mul3A_821, %add3A_822 : i32
        %get3A_824 = arith.index_cast %add3A_823 : i32 to index
        %get3A_825 = arith.constant 0 : index
        %get3A_826 = tpu.vector_load %arg8[%get3A_824, %get3A_825] {strides = array<i32>} : memref<200x32xf32, #tpu.memory_space<vmem>>, vector<1x16xf32>,
        %get3A_827 = vector.shape_cast %get3A_826 : vector<1x16xf32> to vector<16xf32>
        %add3A_828 = arith.addf %while3A_818, %get3A_827 : vector<16xf32>
        %add3A_829 = arith.constant 0 : i32
        %add3A_830 = arith.addi %mul3A_821, %add3A_829 : i32
        %get3A_831 = arith.index_cast %add3A_830 : i32 to index
        %get3A_832 = arith.constant 16 : index
        %get3A_833 = tpu.vector_load %arg8[%get3A_831, %get3A_832] {strides = array<i32>} : memref<200x32xf32, #tpu.memory_space<vmem>>, vector<1x16xf32>,
        %get3A_834 = vector.shape_cast %get3A_833 : vector<1x16xf32> to vector<16xf32>
        %add3A_835 = arith.addf %while3A_819, %get3A_834 : vector<16xf32>
        %add3A_836 = arith.constant 1 : i32
        %add3A_837 = arith.addi %mul3A_821, %add3A_836 : i32
        %get3A_838 = arith.index_cast %add3A_837 : i32 to index
        %get3A_839 = arith.constant 0 : index
        %get3A_840 = tpu.vector_load %arg8[%get3A_838, %get3A_839] {strides = array<i32>} : memref<200x32xf32, #tpu.memory_space<vmem>>, vector<1x16xf32>,
        %get3A_841 = vector.shape_cast %get3A_840 : vector<1x16xf32> to vector<16xf32>
        %add3A_842 = arith.addf %add3A_828, %get3A_841 : vector<16xf32>
        %add3A_843 = arith.constant 1 : i32
        %add3A_844 = arith.addi %mul3A_821, %add3A_843 : i32
        %get3A_845 = arith.index_cast %add3A_844 : i32 to index
        %get3A_846 = arith.constant 16 : index
        %get3A_847 = tpu.vector_load %arg8[%get3A_845, %get3A_846] {strides = array<i32>} : memref<200x32xf32, #tpu.memory_space<vmem>>, vector<1x16xf32>,
        %get3A_848 = vector.shape_cast %get3A_847 : vector<1x16xf32> to vector<16xf32>
        %add3A_849 = arith.addf %add3A_835, %get3A_848 : vector<16xf32>
        %add3A_850 = arith.constant 2 : i32
        %add3A_851 = arith.addi %mul3A_821, %add3A_850 : i32
        %get3A_852 = arith.index_cast %add3A_851 : i32 to index
        %get3A_853 = arith.constant 0 : index
        %get3A_854 = tpu.vector_load %arg8[%get3A_852, %get3A_853] {strides = array<i32>} : memref<200x32xf32, #tpu.memory_space<vmem>>, vector<1x16xf32>,
        %get3A_855 = vector.shape_cast %get3A_854 : vector<1x16xf32> to vector<16xf32>
        %add3A_856 = arith.addf %add3A_842, %get3A_855 : vector<16xf32>
        %add3A_857 = arith.constant 2 : i32
        %add3A_858 = arith.addi %mul3A_821, %add3A_857 : i32
        %get3A_859 = arith.index_cast %add3A_858 : i32 to index
        %get3A_860 = arith.constant 16 : index
        %get3A_861 = tpu.vector_load %arg8[%get3A_859, %get3A_860] {strides = array<i32>} : memref<200x32xf32, #tpu.memory_space<vmem>>, vector<1x16xf32>,
        %get3A_862 = vector.shape_cast %get3A_861 : vector<1x16xf32> to vector<16xf32>
        %add3A_863 = arith.addf %add3A_849, %get3A_862 : vector<16xf32>
        %add3A_864 = arith.constant 3 : i32
        %add3A_865 = arith.addi %mul3A_821, %add3A_864 : i32
        %get3A_866 = arith.index_cast %add3A_865 : i32 to index
        %get3A_867 = arith.constant 0 : index
        %get3A_868 = tpu.vector_load %arg8[%get3A_866, %get3A_867] {strides = array<i32>} : memref<200x32xf32, #tpu.memory_space<vmem>>, vector<1x16xf32>,
        %get3A_869 = vector.shape_cast %get3A_868 : vector<1x16xf32> to vector<16xf32>
        %add3A_870 = arith.addf %add3A_856, %get3A_869 : vector<16xf32>
        %add3A_871 = arith.constant 3 : i32
        %add3A_872 = arith.addi %mul3A_821, %add3A_871 : i32
        %get3A_873 = arith.index_cast %add3A_872 : i32 to index
        %get3A_874 = arith.constant 16 : index
        %get3A_875 = tpu.vector_load %arg8[%get3A_873, %get3A_874] {strides = array<i32>} : memref<200x32xf32, #tpu.memory_space<vmem>>, vector<1x16xf32>,
        %get3A_876 = vector.shape_cast %get3A_875 : vector<1x16xf32> to vector<16xf32>
        %add3A_877 = arith.addf %add3A_863, %get3A_876 : vector<16xf32>
        scf.yield %add3A_870, %add3A_877 : vector<16xf32>, vector<16xf32>
      }
      %mul3A_677 = arith.constant 4 : i32
      %mul3A_678 = arith.muli %shift_right_arithmetic3A_661, %mul3A_677 : i32
      %broadcast_in_dim3A_679 = vector.broadcast %and3A_663 : i32 to vector<16xi32>
      %broadcast_in_dim3A_680 = arith.constant 0 : i32
      %broadcast_in_dim3A_681 = vector.broadcast %broadcast_in_dim3A_680 : i32 to vector<16xi32>
      %sub3A_682 = arith.subi %broadcast_in_dim3A_679, %broadcast_in_dim3A_681 : vector<16xi32>
      %max3A_683 = arith.constant 0 : i32
      %max3A_684 = vector.broadcast %max3A_683 : i32 to vector<16xi32>
      %max3A_685 = arith.maxsi %sub3A_682, %max3A_684 : vector<16xi32>
      %min3A_686 = arith.constant 1 : i32
      %min3A_687 = vector.broadcast %min3A_686 : i32 to vector<16xi32>
      %min3A_688 = arith.minsi %max3A_685, %min3A_687 : vector<16xi32>
      %convert_element_type3A_689 = arith.sitofp %min3A_688 : vector<16xi32> to vector<16xf32>
      %add3A_690 = arith.constant 0 : i32
      %add3A_691 = arith.addi %mul3A_678, %add3A_690 : i32
      %get3A_692 = arith.index_cast %add3A_691 : i32 to index
      %get3A_693 = arith.constant 0 : index
      %get3A_694 = tpu.vector_load %arg8[%get3A_692, %get3A_693] {strides = array<i32>} : memref<200x32xf32, #tpu.memory_space<vmem>>, vector<1x16xf32>,
      %get3A_695 = vector.shape_cast %get3A_694 : vector<1x16xf32> to vector<16xf32>
      %mul3A_696 = arith.mulf %get3A_695, %convert_element_type3A_689 : vector<16xf32>
      %add3A_697 = arith.addf %while3A_676#0, %mul3A_696 : vector<16xf32>
      %add3A_698 = arith.constant 0 : i32
      %add3A_699 = arith.addi %mul3A_678, %add3A_698 : i32
      %get3A_700 = arith.index_cast %add3A_699 : i32 to index
      %get3A_701 = arith.constant 16 : index
      %get3A_702 = tpu.vector_load %arg8[%get3A_700, %get3A_701] {strides = array<i32>} : memref<200x32xf32, #tpu.memory_space<vmem>>, vector<1x16xf32>,
      %get3A_703 = vector.shape_cast %get3A_702 : vector<1x16xf32> to vector<16xf32>
      %mul3A_704 = arith.mulf %get3A_703, %convert_element_type3A_689 : vector<16xf32>
      %add3A_705 = arith.addf %while3A_676#1, %mul3A_704 : vector<16xf32>
      %broadcast_in_dim3A_706 = arith.constant 1 : i32
      %broadcast_in_dim3A_707 = vector.broadcast %broadcast_in_dim3A_706 : i32 to vector<16xi32>
      %sub3A_708 = arith.subi %broadcast_in_dim3A_679, %broadcast_in_dim3A_707 : vector<16xi32>
      %max3A_709 = arith.constant 0 : i32
      %max3A_710 = vector.broadcast %max3A_709 : i32 to vector<16xi32>
      %max3A_711 = arith.maxsi %sub3A_708, %max3A_710 : vector<16xi32>
      %min3A_712 = arith.constant 1 : i32
      %min3A_713 = vector.broadcast %min3A_712 : i32 to vector<16xi32>
      %min3A_714 = arith.minsi %max3A_711, %min3A_713 : vector<16xi32>
      %convert_element_type3A_715 = arith.sitofp %min3A_714 : vector<16xi32> to vector<16xf32>
      %add3A_716 = arith.constant 1 : i32
      %add3A_717 = arith.addi %mul3A_678, %add3A_716 : i32
      %get3A_718 = arith.index_cast %add3A_717 : i32 to index
      %get3A_719 = arith.constant 0 : index
      %get3A_720 = tpu.vector_load %arg8[%get3A_718, %get3A_719] {strides = array<i32>} : memref<200x32xf32, #tpu.memory_space<vmem>>, vector<1x16xf32>,
      %get3A_721 = vector.shape_cast %get3A_720 : vector<1x16xf32> to vector<16xf32>
      %mul3A_722 = arith.mulf %get3A_721, %convert_element_type3A_715 : vector<16xf32>
      %add3A_723 = arith.addf %add3A_697, %mul3A_722 : vector<16xf32>
      %add3A_724 = arith.constant 1 : i32
      %add3A_725 = arith.addi %mul3A_678, %add3A_724 : i32
      %get3A_726 = arith.index_cast %add3A_725 : i32 to index
      %get3A_727 = arith.constant 16 : index
      %get3A_728 = tpu.vector_load %arg8[%get3A_726, %get3A_727] {strides = array<i32>} : memref<200x32xf32, #tpu.memory_space<vmem>>, vector<1x16xf32>,
      %get3A_729 = vector.shape_cast %get3A_728 : vector<1x16xf32> to vector<16xf32>
      %mul3A_730 = arith.mulf %get3A_729, %convert_element_type3A_715 : vector<16xf32>
      %add3A_731 = arith.addf %add3A_705, %mul3A_730 : vector<16xf32>
      %broadcast_in_dim3A_732 = arith.constant 2 : i32
      %broadcast_in_dim3A_733 = vector.broadcast %broadcast_in_dim3A_732 : i32 to vector<16xi32>
      %sub3A_734 = arith.subi %broadcast_in_dim3A_679, %broadcast_in_dim3A_733 : vector<16xi32>
      %max3A_735 = arith.constant 0 : i32
      %max3A_736 = vector.broadcast %max3A_735 : i32 to vector<16xi32>
      %max3A_737 = arith.maxsi %sub3A_734, %max3A_736 : vector<16xi32>
      %min3A_738 = arith.constant 1 : i32
      %min3A_739 = vector.broadcast %min3A_738 : i32 to vector<16xi32>
      %min3A_740 = arith.minsi %max3A_737, %min3A_739 : vector<16xi32>
      %convert_element_type3A_741 = arith.sitofp %min3A_740 : vector<16xi32> to vector<16xf32>
      %add3A_742 = arith.constant 2 : i32
      %add3A_743 = arith.addi %mul3A_678, %add3A_742 : i32
      %get3A_744 = arith.index_cast %add3A_743 : i32 to index
      %get3A_745 = arith.constant 0 : index
      %get3A_746 = tpu.vector_load %arg8[%get3A_744, %get3A_745] {strides = array<i32>} : memref<200x32xf32, #tpu.memory_space<vmem>>, vector<1x16xf32>,
      %get3A_747 = vector.shape_cast %get3A_746 : vector<1x16xf32> to vector<16xf32>
      %mul3A_748 = arith.mulf %get3A_747, %convert_element_type3A_741 : vector<16xf32>
      %add3A_749 = arith.addf %add3A_723, %mul3A_748 : vector<16xf32>
      %add3A_750 = arith.constant 2 : i32
      %add3A_751 = arith.addi %mul3A_678, %add3A_750 : i32
      %get3A_752 = arith.index_cast %add3A_751 : i32 to index
      %get3A_753 = arith.constant 16 : index
      %get3A_754 = tpu.vector_load %arg8[%get3A_752, %get3A_753] {strides = array<i32>} : memref<200x32xf32, #tpu.memory_space<vmem>>, vector<1x16xf32>,
      %get3A_755 = vector.shape_cast %get3A_754 : vector<1x16xf32> to vector<16xf32>
      %mul3A_756 = arith.mulf %get3A_755, %convert_element_type3A_741 : vector<16xf32>
      %add3A_757 = arith.addf %add3A_731, %mul3A_756 : vector<16xf32>
      %broadcast_in_dim3A_758 = vector.broadcast %squeeze3A_659 : i32 to vector<16xi32>
      %convert_element_type3A_759 = arith.sitofp %broadcast_in_dim3A_758 : vector<16xi32> to vector<16xf32>
      %div3A_760 = arith.divf %add3A_749, %convert_element_type3A_759 : vector<16xf32>
      %swap3A_761 = arith.index_cast %add3A_654 : i32 to index
      %swap3A_762 = arith.constant 0 : index
      %swap3A_763 = tpu.vector_load %arg10[%swap3A_761, %swap3A_762] {strides = array<i32>} : memref<128x32xf32, #tpu.memory_space<vmem>>, vector<1x16xf32>,
      %swap3A_764 = vector.shape_cast %swap3A_763 : vector<1x16xf32> to vector<16xf32>
      %swap3A_765 = vector.shape_cast %div3A_760 : vector<16xf32> to vector<1x16xf32>
      tpu.vector_store %arg10[%swap3A_761, %swap3A_762], %swap3A_765 {strides = array<i32>} : memref<128x32xf32, #tpu.memory_space<vmem>>, vector<1x16xf32>,
      %div3A_766 = arith.divf %add3A_757, %convert_element_type3A_759 : vector<16xf32>
      %swap3A_767 = arith.index_cast %add3A_654 : i32 to index
      %swap3A_768 = arith.constant 16 : index
      %swap3A_769 = tpu.vector_load %arg10[%swap3A_767, %swap3A_768] {strides = array<i32>} : memref<128x32xf32, #tpu.memory_space<vmem>>, vector<1x16xf32>,
      %swap3A_770 = vector.shape_cast %swap3A_769 : vector<1x16xf32> to vector<16xf32>
      %swap3A_771 = vector.shape_cast %div3A_766 : vector<16xf32> to vector<1x16xf32>
      tpu.vector_store %arg10[%swap3A_767, %swap3A_768], %swap3A_771 {strides = array<i32>} : memref<128x32xf32, #tpu.memory_space<vmem>>, vector<1x16xf32>,
      %add3A_772 = arith.constant 3 : i32
      %add3A_773 = arith.addi %mul3A_402, %add3A_772 : i32
      %get3A_774 = arith.index_cast %add3A_773 : i32 to index
      %get3A_775 = tpu.vector_load %arg9[%get3A_774] {strides = array<i32>} : memref<144xi32, #tpu.memory_space<vmem>>, vector<16xi32>,
      %get3A_776 = vector.shape_cast %get3A_775 : vector<16xi32> to vector<16xi32>
      %slice3A_777 = vector.extract_strided_slice %get3A_776 {offsets = [0], sizes = [1], strides = [1]} : vector<16xi32> to vector<1xi32>
      %squeeze3A_778 = vector.extract %slice3A_777[0] : i32 from vector<1xi32>
      %add3A_779 = arith.constant 40 : i32
      %add3A_780 = arith.addi %squeeze3A_778, %add3A_779 : i32
      %sub3A_781 = arith.constant 1 : i32
      %sub3A_782 = arith.subi %add3A_780, %sub3A_781 : i32
      %jit3A_783 = arith.constant 40 : i32
      %div3A_784 = arith.divsi %sub3A_782, %jit3A_783 : i32
      %sign3A_785 = arith.constant 0 : i32
      %sign3A_786 = arith.cmpi sgt, %sub3A_782, %sign3A_785 : i32
      %sign3A_787 = arith.extui %sign3A_786 : i1 to i32
      %sign3A_788 = arith.constant 0 : i32
      %sign3A_789 = arith.cmpi slt, %sub3A_782, %sign3A_788 : i32
      %sign3A_790 = arith.extui %sign3A_789 : i1 to i32
      %sign3A_791 = arith.subi %sign3A_787, %sign3A_790 : i32
      %sign3A_792 = arith.constant 0 : i32
      %sign3A_793 = arith.cmpi sgt, %jit3A_783, %sign3A_792 : i32
      %sign3A_794 = arith.extui %sign3A_793 : i1 to i32
      %sign3A_795 = arith.constant 0 : i32
      %sign3A_796 = arith.cmpi slt, %jit3A_783, %sign3A_795 : i32
      %sign3A_797 = arith.extui %sign3A_796 : i1 to i32
      %sign3A_798 = arith.subi %sign3A_794, %sign3A_797 : i32
      %ne3A_799 = arith.cmpi ne, %sign3A_791, %sign3A_798 : i32
      %rem3A_800 = arith.remsi %sub3A_782, %jit3A_783 : i32
      %ne3A_801 = arith.constant 0 : i32
      %ne3A_802 = arith.cmpi ne, %rem3A_800, %ne3A_801 : i32
      %and3A_803 = arith.andi %ne3A_799, %ne3A_802 : i1
      %sub3A_804 = arith.constant 1 : i32
      %sub3A_805 = arith.subi %div3A_784, %sub3A_804 : i32
      %select_n3A_806 = arith.select %and3A_803, %sub3A_805, %div3A_784 : i32
      %while3A_807 = arith.constant 0 : i32
      %while3A_808 = arith.constant 0 : i32
      %while3A_809 = arith.subi %select_n3A_806, %while3A_808 : i32
      %while3A_810 = arith.addi %while3A_808, %while3A_809 : i32
      %while3A_811 = arith.constant 1 : i32
      %while3A_812 = arith.divsi %while3A_809, %while3A_811 : i32
      %while3A_813 = arith.muli %while3A_812, %while3A_811 : i32
      %while3A_814 = arith.addi %while3A_808, %while3A_813 : i32
      %while3A_815 = arith.constant 1 : i32
      scf.for %while3A_817 = %while3A_808 to %while3A_814 step %while3A_815  : i32 {
        %mul3A_818 = arith.constant 40 : i32
        %mul3A_819 = arith.muli %while3A_817, %mul3A_818 : i32
        %multiple_of3A = tpu.assume_multiple %mul3A_819, 40 : i32
        %dma_start3A = arith.constant 0 : i32
        %dma_start3A_820 = tpu.memref_slice %arg8[%multiple_of3A, %dma_start3A] : memref<200x32xf32, #tpu.memory_space<vmem>> -> memref<40x32xf32, #tpu.memory_space<vmem>>
        %dma_start3A_821 = tpu.memref_slice %arg6[%add3A_773, %multiple_of3A] : memref<128x200xi32, #tpu.memory_space<vmem>> -> memref<1x40xi32, #tpu.memory_space<vmem>>
        %dma_start3A_822 = tpu.memref_squeeze %dma_start3A_821 : memref<1x40xi32, #tpu.memory_space<vmem>> -> memref<40xi32, #tpu.memory_space<vmem>>
        %dma_start3A_823 = arith.constant 0 : i32
        %dma_start3A_824 = arith.constant 0 : i32
        %dma_start3A_825 = tpu.memref_slice %arg4[%dma_start3A_823, %dma_start3A_824] : memref<1000000x32xf32, #tpu.memory_space<hbm>> -> memref<1000000x32xf32, #tpu.memory_space<hbm>>
        tpu.enqueue_indirect_dma source(%dma_start3A_825 : memref<1000000x32xf32, #tpu.memory_space<hbm>>) target(%dma_start3A_820 : memref<40x32xf32, #tpu.memory_space<vmem>>) offsets(%dma_start3A_822 : memref<40xi32, #tpu.memory_space<vmem>>) semaphore(%arg12 : memref<!tpu.dma_semaphore, #tpu.memory_space<semaphore_mem>>)
      }
      %while3A_816 = arith.constant 1 : i32
      scf.for %while3A_817 = %while3A_814 to %while3A_810 step %while3A_816  : i32 {
        %mul3A_818 = arith.constant 40 : i32
        %mul3A_819 = arith.muli %while3A_817, %mul3A_818 : i32
        %multiple_of3A = tpu.assume_multiple %mul3A_819, 40 : i32
        %dma_start3A = arith.constant 0 : i32
        %dma_start3A_820 = tpu.memref_slice %arg8[%multiple_of3A, %dma_start3A] : memref<200x32xf32, #tpu.memory_space<vmem>> -> memref<40x32xf32, #tpu.memory_space<vmem>>
        %dma_start3A_821 = tpu.memref_slice %arg6[%add3A_773, %multiple_of3A] : memref<128x200xi32, #tpu.memory_space<vmem>> -> memref<1x40xi32, #tpu.memory_space<vmem>>
        %dma_start3A_822 = tpu.memref_squeeze %dma_start3A_821 : memref<1x40xi32, #tpu.memory_space<vmem>> -> memref<40xi32, #tpu.memory_space<vmem>>
        %dma_start3A_823 = arith.constant 0 : i32
        %dma_start3A_824 = arith.constant 0 : i32
        %dma_start3A_825 = tpu.memref_slice %arg4[%dma_start3A_823, %dma_start3A_824] : memref<1000000x32xf32, #tpu.memory_space<hbm>> -> memref<1000000x32xf32, #tpu.memory_space<hbm>>
        tpu.enqueue_indirect_dma source(%dma_start3A_825 : memref<1000000x32xf32, #tpu.memory_space<hbm>>) target(%dma_start3A_820 : memref<40x32xf32, #tpu.memory_space<vmem>>) offsets(%dma_start3A_822 : memref<40xi32, #tpu.memory_space<vmem>>) semaphore(%arg12 : memref<!tpu.dma_semaphore, #tpu.memory_space<semaphore_mem>>)
      }
    }
    %scan3A_81 = arith.constant 63 : i32
    %get3A_82 = arith.constant 126 : index
    %get3A_83 = tpu.vector_load %arg9[%get3A_82] {strides = array<i32>} : memref<144xi32, #tpu.memory_space<vmem>>, vector<16xi32>,
    %get3A_84 = vector.shape_cast %get3A_83 : vector<16xi32> to vector<16xi32>
    %slice3A_85 = vector.extract_strided_slice %get3A_84 {offsets = [0], sizes = [1], strides = [1]} : vector<16xi32> to vector<1xi32>
    %squeeze3A_86 = vector.extract %slice3A_85[0] : i32 from vector<1xi32>
    %add3A_87 = arith.constant 40 : i32
    %add3A_88 = arith.addi %squeeze3A_86, %add3A_87 : i32
    %sub3A_89 = arith.constant 1 : i32
    %sub3A_90 = arith.subi %add3A_88, %sub3A_89 : i32
    %jit3A_91 = arith.constant 40 : i32
    %div3A_92 = arith.divsi %sub3A_90, %jit3A_91 : i32
    %sign3A_93 = arith.constant 0 : i32
    %sign3A_94 = arith.cmpi sgt, %sub3A_90, %sign3A_93 : i32
    %sign3A_95 = arith.extui %sign3A_94 : i1 to i32
    %sign3A_96 = arith.constant 0 : i32
    %sign3A_97 = arith.cmpi slt, %sub3A_90, %sign3A_96 : i32
    %sign3A_98 = arith.extui %sign3A_97 : i1 to i32
    %sign3A_99 = arith.subi %sign3A_95, %sign3A_98 : i32
    %sign3A_100 = arith.constant 0 : i32
    %sign3A_101 = arith.cmpi sgt, %jit3A_91, %sign3A_100 : i32
    %sign3A_102 = arith.extui %sign3A_101 : i1 to i32
    %sign3A_103 = arith.constant 0 : i32
    %sign3A_104 = arith.cmpi slt, %jit3A_91, %sign3A_103 : i32
    %sign3A_105 = arith.extui %sign3A_104 : i1 to i32
    %sign3A_106 = arith.subi %sign3A_102, %sign3A_105 : i32
    %ne3A_107 = arith.cmpi ne, %sign3A_99, %sign3A_106 : i32
    %rem3A_108 = arith.remsi %sub3A_90, %jit3A_91 : i32
    %ne3A_109 = arith.constant 0 : i32
    %ne3A_110 = arith.cmpi ne, %rem3A_108, %ne3A_109 : i32
    %and3A_111 = arith.andi %ne3A_107, %ne3A_110 : i1
    %sub3A_112 = arith.constant 1 : i32
    %sub3A_113 = arith.subi %div3A_92, %sub3A_112 : i32
    %select_n3A_114 = arith.select %and3A_111, %sub3A_113, %div3A_92 : i32
    %while3A_115 = arith.constant 0 : i32
    %while3A_116 = arith.constant 0 : i32
    %while3A_117 = arith.subi %select_n3A_114, %while3A_116 : i32
    %while3A_118 = arith.addi %while3A_116, %while3A_117 : i32
    %while3A_119 = arith.constant 1 : i32
    %while3A_120 = arith.divsi %while3A_117, %while3A_119 : i32
    %while3A_121 = arith.muli %while3A_120, %while3A_119 : i32
    %while3A_122 = arith.addi %while3A_116, %while3A_121 : i32
    %while3A_123 = arith.constant 1 : i32
    scf.for %while3A_400 = %while3A_116 to %while3A_122 step %while3A_123  : i32 {
      %mul3A_401 = arith.constant 40 : i32
      %mul3A_402 = arith.muli %while3A_400, %mul3A_401 : i32
      %multiple_of3A = tpu.assume_multiple %mul3A_402, 40 : i32
      %dma_wait3A = arith.constant 126 : i32
      %dma_wait3A_403 = arith.constant 0 : i32
      %dma_wait3A_404 = tpu.memref_slice %arg7[%multiple_of3A, %dma_wait3A_403] : memref<200x32xf32, #tpu.memory_space<vmem>> -> memref<40x32xf32, #tpu.memory_space<vmem>>
      %dma_wait3A_405 = tpu.memref_slice %arg6[%dma_wait3A, %multiple_of3A] : memref<128x200xi32, #tpu.memory_space<vmem>> -> memref<1x40xi32, #tpu.memory_space<vmem>>
      %dma_wait3A_406 = tpu.memref_squeeze %dma_wait3A_405 : memref<1x40xi32, #tpu.memory_space<vmem>> -> memref<40xi32, #tpu.memory_space<vmem>>
      %dma_wait3A_407 = arith.constant 0 : i32
      %dma_wait3A_408 = arith.constant 0 : i32
      %dma_wait3A_409 = tpu.memref_slice %arg4[%dma_wait3A_407, %dma_wait3A_408] : memref<1000000x32xf32, #tpu.memory_space<hbm>> -> memref<1000000x32xf32, #tpu.memory_space<hbm>>
      tpu.wait_indirect_dma semaphore(%arg11 : memref<!tpu.dma_semaphore, #tpu.memory_space<semaphore_mem>>) src(%dma_wait3A_409 : memref<1000000x32xf32, #tpu.memory_space<hbm>>) dst(%dma_wait3A_404 : memref<40x32xf32, #tpu.memory_space<vmem>>)
    }
    %while3A_124 = arith.constant 1 : i32
    scf.for %while3A_400 = %while3A_122 to %while3A_118 step %while3A_124  : i32 {
      %mul3A_401 = arith.constant 40 : i32
      %mul3A_402 = arith.muli %while3A_400, %mul3A_401 : i32
      %multiple_of3A = tpu.assume_multiple %mul3A_402, 40 : i32
      %dma_wait3A = arith.constant 126 : i32
      %dma_wait3A_403 = arith.constant 0 : i32
      %dma_wait3A_404 = tpu.memref_slice %arg7[%multiple_of3A, %dma_wait3A_403] : memref<200x32xf32, #tpu.memory_space<vmem>> -> memref<40x32xf32, #tpu.memory_space<vmem>>
      %dma_wait3A_405 = tpu.memref_slice %arg6[%dma_wait3A, %multiple_of3A] : memref<128x200xi32, #tpu.memory_space<vmem>> -> memref<1x40xi32, #tpu.memory_space<vmem>>
      %dma_wait3A_406 = tpu.memref_squeeze %dma_wait3A_405 : memref<1x40xi32, #tpu.memory_space<vmem>> -> memref<40xi32, #tpu.memory_space<vmem>>
      %dma_wait3A_407 = arith.constant 0 : i32
      %dma_wait3A_408 = arith.constant 0 : i32
      %dma_wait3A_409 = tpu.memref_slice %arg4[%dma_wait3A_407, %dma_wait3A_408] : memref<1000000x32xf32, #tpu.memory_space<hbm>> -> memref<1000000x32xf32, #tpu.memory_space<hbm>>
      tpu.wait_indirect_dma semaphore(%arg11 : memref<!tpu.dma_semaphore, #tpu.memory_space<semaphore_mem>>) src(%dma_wait3A_409 : memref<1000000x32xf32, #tpu.memory_space<hbm>>) dst(%dma_wait3A_404 : memref<40x32xf32, #tpu.memory_space<vmem>>)
    }
    %get3A_125 = arith.constant 126 : index
    %get3A_126 = tpu.vector_load %arg9[%get3A_125] {strides = array<i32>} : memref<144xi32, #tpu.memory_space<vmem>>, vector<16xi32>,
    %get3A_127 = vector.shape_cast %get3A_126 : vector<16xi32> to vector<16xi32>
    %slice3A_128 = vector.extract_strided_slice %get3A_127 {offsets = [0], sizes = [1], strides = [1]} : vector<16xi32> to vector<1xi32>
    %squeeze3A_129 = vector.extract %slice3A_128[0] : i32 from vector<1xi32>
    %shift_right_arithmetic3A = arith.constant 2 : i32
    %shift_right_arithmetic3A_130 = arith.shrsi %squeeze3A_129, %shift_right_arithmetic3A : i32
    %and3A_131 = arith.constant 3 : i32
    %and3A_132 = arith.andi %squeeze3A_129, %and3A_131 : i32
    %broadcast_in_dim3A = arith.constant 0.000000e+00 : f32
    %broadcast_in_dim3A_133 = vector.broadcast %broadcast_in_dim3A : f32 to vector<16xf32>
    %while3A_134 = arith.constant 0 : i32
    %while3A_135 = arith.subi %shift_right_arithmetic3A_130, %while3A_134 : i32
    %while3A_136 = arith.addi %while3A_134, %while3A_135 : i32
    %while3A_137 = arith.constant 1 : i32
    %while3A_138 = arith.divsi %while3A_135, %while3A_137 : i32
    %while3A_139 = arith.muli %while3A_138, %while3A_137 : i32
    %while3A_140 = arith.addi %while3A_134, %while3A_139 : i32
    %while3A_141 = arith.constant 1 : i32
    %while3A_142:2 = scf.for %while3A_400 = %while3A_134 to %while3A_140 step %while3A_141 iter_args(%while3A_401 = %broadcast_in_dim3A_133, %while3A_402 = %broadcast_in_dim3A_133) -> (vector<16xf32>, vector<16xf32>)  : i32 {
      %mul3A_403 = arith.constant 4 : i32
      %mul3A_404 = arith.muli %while3A_400, %mul3A_403 : i32
      %add3A_405 = arith.constant 0 : i32
      %add3A_406 = arith.addi %mul3A_404, %add3A_405 : i32
      %get3A_407 = arith.index_cast %add3A_406 : i32 to index
      %get3A_408 = arith.constant 0 : index
      %get3A_409 = tpu.vector_load %arg7[%get3A_407, %get3A_408] {strides = array<i32>} : memref<200x32xf32, #tpu.memory_space<vmem>>, vector<1x16xf32>,
      %get3A_410 = vector.shape_cast %get3A_409 : vector<1x16xf32> to vector<16xf32>
      %add3A_411 = arith.addf %while3A_401, %get3A_410 : vector<16xf32>
      %add3A_412 = arith.constant 0 : i32
      %add3A_413 = arith.addi %mul3A_404, %add3A_412 : i32
      %get3A_414 = arith.index_cast %add3A_413 : i32 to index
      %get3A_415 = arith.constant 16 : index
      %get3A_416 = tpu.vector_load %arg7[%get3A_414, %get3A_415] {strides = array<i32>} : memref<200x32xf32, #tpu.memory_space<vmem>>, vector<1x16xf32>,
      %get3A_417 = vector.shape_cast %get3A_416 : vector<1x16xf32> to vector<16xf32>
      %add3A_418 = arith.addf %while3A_402, %get3A_417 : vector<16xf32>
      %add3A_419 = arith.constant 1 : i32
      %add3A_420 = arith.addi %mul3A_404, %add3A_419 : i32
      %get3A_421 = arith.index_cast %add3A_420 : i32 to index
      %get3A_422 = arith.constant 0 : index
      %get3A_423 = tpu.vector_load %arg7[%get3A_421, %get3A_422] {strides = array<i32>} : memref<200x32xf32, #tpu.memory_space<vmem>>, vector<1x16xf32>,
      %get3A_424 = vector.shape_cast %get3A_423 : vector<1x16xf32> to vector<16xf32>
      %add3A_425 = arith.addf %add3A_411, %get3A_424 : vector<16xf32>
      %add3A_426 = arith.constant 1 : i32
      %add3A_427 = arith.addi %mul3A_404, %add3A_426 : i32
      %get3A_428 = arith.index_cast %add3A_427 : i32 to index
      %get3A_429 = arith.constant 16 : index
      %get3A_430 = tpu.vector_load %arg7[%get3A_428, %get3A_429] {strides = array<i32>} : memref<200x32xf32, #tpu.memory_space<vmem>>, vector<1x16xf32>,
      %get3A_431 = vector.shape_cast %get3A_430 : vector<1x16xf32> to vector<16xf32>
      %add3A_432 = arith.addf %add3A_418, %get3A_431 : vector<16xf32>
      %add3A_433 = arith.constant 2 : i32
      %add3A_434 = arith.addi %mul3A_404, %add3A_433 : i32
      %get3A_435 = arith.index_cast %add3A_434 : i32 to index
      %get3A_436 = arith.constant 0 : index
      %get3A_437 = tpu.vector_load %arg7[%get3A_435, %get3A_436] {strides = array<i32>} : memref<200x32xf32, #tpu.memory_space<vmem>>, vector<1x16xf32>,
      %get3A_438 = vector.shape_cast %get3A_437 : vector<1x16xf32> to vector<16xf32>
      %add3A_439 = arith.addf %add3A_425, %get3A_438 : vector<16xf32>
      %add3A_440 = arith.constant 2 : i32
      %add3A_441 = arith.addi %mul3A_404, %add3A_440 : i32
      %get3A_442 = arith.index_cast %add3A_441 : i32 to index
      %get3A_443 = arith.constant 16 : index
      %get3A_444 = tpu.vector_load %arg7[%get3A_442, %get3A_443] {strides = array<i32>} : memref<200x32xf32, #tpu.memory_space<vmem>>, vector<1x16xf32>,
      %get3A_445 = vector.shape_cast %get3A_444 : vector<1x16xf32> to vector<16xf32>
      %add3A_446 = arith.addf %add3A_432, %get3A_445 : vector<16xf32>
      %add3A_447 = arith.constant 3 : i32
      %add3A_448 = arith.addi %mul3A_404, %add3A_447 : i32
      %get3A_449 = arith.index_cast %add3A_448 : i32 to index
      %get3A_450 = arith.constant 0 : index
      %get3A_451 = tpu.vector_load %arg7[%get3A_449, %get3A_450] {strides = array<i32>} : memref<200x32xf32, #tpu.memory_space<vmem>>, vector<1x16xf32>,
      %get3A_452 = vector.shape_cast %get3A_451 : vector<1x16xf32> to vector<16xf32>
      %add3A_453 = arith.addf %add3A_439, %get3A_452 : vector<16xf32>
      %add3A_454 = arith.constant 3 : i32
      %add3A_455 = arith.addi %mul3A_404, %add3A_454 : i32
      %get3A_456 = arith.index_cast %add3A_455 : i32 to index
      %get3A_457 = arith.constant 16 : index
      %get3A_458 = tpu.vector_load %arg7[%get3A_456, %get3A_457] {strides = array<i32>} : memref<200x32xf32, #tpu.memory_space<vmem>>, vector<1x16xf32>,
      %get3A_459 = vector.shape_cast %get3A_458 : vector<1x16xf32> to vector<16xf32>
      %add3A_460 = arith.addf %add3A_446, %get3A_459 : vector<16xf32>
      scf.yield %add3A_453, %add3A_460 : vector<16xf32>, vector<16xf32>
    }
    %while3A_143 = arith.constant 1 : i32
    %while3A_144:2 = scf.for %while3A_400 = %while3A_140 to %while3A_136 step %while3A_143 iter_args(%while3A_401 = %while3A_142#0, %while3A_402 = %while3A_142#1) -> (vector<16xf32>, vector<16xf32>)  : i32 {
      %mul3A_403 = arith.constant 4 : i32
      %mul3A_404 = arith.muli %while3A_400, %mul3A_403 : i32
      %add3A_405 = arith.constant 0 : i32
      %add3A_406 = arith.addi %mul3A_404, %add3A_405 : i32
      %get3A_407 = arith.index_cast %add3A_406 : i32 to index
      %get3A_408 = arith.constant 0 : index
      %get3A_409 = tpu.vector_load %arg7[%get3A_407, %get3A_408] {strides = array<i32>} : memref<200x32xf32, #tpu.memory_space<vmem>>, vector<1x16xf32>,
      %get3A_410 = vector.shape_cast %get3A_409 : vector<1x16xf32> to vector<16xf32>
      %add3A_411 = arith.addf %while3A_401, %get3A_410 : vector<16xf32>
      %add3A_412 = arith.constant 0 : i32
      %add3A_413 = arith.addi %mul3A_404, %add3A_412 : i32
      %get3A_414 = arith.index_cast %add3A_413 : i32 to index
      %get3A_415 = arith.constant 16 : index
      %get3A_416 = tpu.vector_load %arg7[%get3A_414, %get3A_415] {strides = array<i32>} : memref<200x32xf32, #tpu.memory_space<vmem>>, vector<1x16xf32>,
      %get3A_417 = vector.shape_cast %get3A_416 : vector<1x16xf32> to vector<16xf32>
      %add3A_418 = arith.addf %while3A_402, %get3A_417 : vector<16xf32>
      %add3A_419 = arith.constant 1 : i32
      %add3A_420 = arith.addi %mul3A_404, %add3A_419 : i32
      %get3A_421 = arith.index_cast %add3A_420 : i32 to index
      %get3A_422 = arith.constant 0 : index
      %get3A_423 = tpu.vector_load %arg7[%get3A_421, %get3A_422] {strides = array<i32>} : memref<200x32xf32, #tpu.memory_space<vmem>>, vector<1x16xf32>,
      %get3A_424 = vector.shape_cast %get3A_423 : vector<1x16xf32> to vector<16xf32>
      %add3A_425 = arith.addf %add3A_411, %get3A_424 : vector<16xf32>
      %add3A_426 = arith.constant 1 : i32
      %add3A_427 = arith.addi %mul3A_404, %add3A_426 : i32
      %get3A_428 = arith.index_cast %add3A_427 : i32 to index
      %get3A_429 = arith.constant 16 : index
      %get3A_430 = tpu.vector_load %arg7[%get3A_428, %get3A_429] {strides = array<i32>} : memref<200x32xf32, #tpu.memory_space<vmem>>, vector<1x16xf32>,
      %get3A_431 = vector.shape_cast %get3A_430 : vector<1x16xf32> to vector<16xf32>
      %add3A_432 = arith.addf %add3A_418, %get3A_431 : vector<16xf32>
      %add3A_433 = arith.constant 2 : i32
      %add3A_434 = arith.addi %mul3A_404, %add3A_433 : i32
      %get3A_435 = arith.index_cast %add3A_434 : i32 to index
      %get3A_436 = arith.constant 0 : index
      %get3A_437 = tpu.vector_load %arg7[%get3A_435, %get3A_436] {strides = array<i32>} : memref<200x32xf32, #tpu.memory_space<vmem>>, vector<1x16xf32>,
      %get3A_438 = vector.shape_cast %get3A_437 : vector<1x16xf32> to vector<16xf32>
      %add3A_439 = arith.addf %add3A_425, %get3A_438 : vector<16xf32>
      %add3A_440 = arith.constant 2 : i32
      %add3A_441 = arith.addi %mul3A_404, %add3A_440 : i32
      %get3A_442 = arith.index_cast %add3A_441 : i32 to index
      %get3A_443 = arith.constant 16 : index
      %get3A_444 = tpu.vector_load %arg7[%get3A_442, %get3A_443] {strides = array<i32>} : memref<200x32xf32, #tpu.memory_space<vmem>>, vector<1x16xf32>,
      %get3A_445 = vector.shape_cast %get3A_444 : vector<1x16xf32> to vector<16xf32>
      %add3A_446 = arith.addf %add3A_432, %get3A_445 : vector<16xf32>
      %add3A_447 = arith.constant 3 : i32
      %add3A_448 = arith.addi %mul3A_404, %add3A_447 : i32
      %get3A_449 = arith.index_cast %add3A_448 : i32 to index
      %get3A_450 = arith.constant 0 : index
      %get3A_451 = tpu.vector_load %arg7[%get3A_449, %get3A_450] {strides = array<i32>} : memref<200x32xf32, #tpu.memory_space<vmem>>, vector<1x16xf32>,
      %get3A_452 = vector.shape_cast %get3A_451 : vector<1x16xf32> to vector<16xf32>
      %add3A_453 = arith.addf %add3A_439, %get3A_452 : vector<16xf32>
      %add3A_454 = arith.constant 3 : i32
      %add3A_455 = arith.addi %mul3A_404, %add3A_454 : i32
      %get3A_456 = arith.index_cast %add3A_455 : i32 to index
      %get3A_457 = arith.constant 16 : index
      %get3A_458 = tpu.vector_load %arg7[%get3A_456, %get3A_457] {strides = array<i32>} : memref<200x32xf32, #tpu.memory_space<vmem>>, vector<1x16xf32>,
      %get3A_459 = vector.shape_cast %get3A_458 : vector<1x16xf32> to vector<16xf32>
      %add3A_460 = arith.addf %add3A_446, %get3A_459 : vector<16xf32>
      scf.yield %add3A_453, %add3A_460 : vector<16xf32>, vector<16xf32>
    }
    %mul3A_145 = arith.constant 4 : i32
    %mul3A_146 = arith.muli %shift_right_arithmetic3A_130, %mul3A_145 : i32
    %broadcast_in_dim3A_147 = vector.broadcast %and3A_132 : i32 to vector<16xi32>
    %broadcast_in_dim3A_148 = arith.constant 0 : i32
    %broadcast_in_dim3A_149 = vector.broadcast %broadcast_in_dim3A_148 : i32 to vector<16xi32>
    %sub3A_150 = arith.subi %broadcast_in_dim3A_147, %broadcast_in_dim3A_149 : vector<16xi32>
    %max3A = arith.constant 0 : i32
    %max3A_151 = vector.broadcast %max3A : i32 to vector<16xi32>
    %max3A_152 = arith.maxsi %sub3A_150, %max3A_151 : vector<16xi32>
    %min3A = arith.constant 1 : i32
    %min3A_153 = vector.broadcast %min3A : i32 to vector<16xi32>
    %min3A_154 = arith.minsi %max3A_152, %min3A_153 : vector<16xi32>
    %convert_element_type3A = arith.sitofp %min3A_154 : vector<16xi32> to vector<16xf32>
    %add3A_155 = arith.constant 0 : i32
    %add3A_156 = arith.addi %mul3A_146, %add3A_155 : i32
    %get3A_157 = arith.index_cast %add3A_156 : i32 to index
    %get3A_158 = arith.constant 0 : index
    %get3A_159 = tpu.vector_load %arg7[%get3A_157, %get3A_158] {strides = array<i32>} : memref<200x32xf32, #tpu.memory_space<vmem>>, vector<1x16xf32>,
    %get3A_160 = vector.shape_cast %get3A_159 : vector<1x16xf32> to vector<16xf32>
    %mul3A_161 = arith.mulf %get3A_160, %convert_element_type3A : vector<16xf32>
    %add3A_162 = arith.addf %while3A_144#0, %mul3A_161 : vector<16xf32>
    %add3A_163 = arith.constant 0 : i32
    %add3A_164 = arith.addi %mul3A_146, %add3A_163 : i32
    %get3A_165 = arith.index_cast %add3A_164 : i32 to index
    %get3A_166 = arith.constant 16 : index
    %get3A_167 = tpu.vector_load %arg7[%get3A_165, %get3A_166] {strides = array<i32>} : memref<200x32xf32, #tpu.memory_space<vmem>>, vector<1x16xf32>,
    %get3A_168 = vector.shape_cast %get3A_167 : vector<1x16xf32> to vector<16xf32>
    %mul3A_169 = arith.mulf %get3A_168, %convert_element_type3A : vector<16xf32>
    %add3A_170 = arith.addf %while3A_144#1, %mul3A_169 : vector<16xf32>
    %broadcast_in_dim3A_171 = arith.constant 1 : i32
    %broadcast_in_dim3A_172 = vector.broadcast %broadcast_in_dim3A_171 : i32 to vector<16xi32>
    %sub3A_173 = arith.subi %broadcast_in_dim3A_147, %broadcast_in_dim3A_172 : vector<16xi32>
    %max3A_174 = arith.constant 0 : i32
    %max3A_175 = vector.broadcast %max3A_174 : i32 to vector<16xi32>
    %max3A_176 = arith.maxsi %sub3A_173, %max3A_175 : vector<16xi32>
    %min3A_177 = arith.constant 1 : i32
    %min3A_178 = vector.broadcast %min3A_177 : i32 to vector<16xi32>
    %min3A_179 = arith.minsi %max3A_176, %min3A_178 : vector<16xi32>
    %convert_element_type3A_180 = arith.sitofp %min3A_179 : vector<16xi32> to vector<16xf32>
    %add3A_181 = arith.constant 1 : i32
    %add3A_182 = arith.addi %mul3A_146, %add3A_181 : i32
    %get3A_183 = arith.index_cast %add3A_182 : i32 to index
    %get3A_184 = arith.constant 0 : index
    %get3A_185 = tpu.vector_load %arg7[%get3A_183, %get3A_184] {strides = array<i32>} : memref<200x32xf32, #tpu.memory_space<vmem>>, vector<1x16xf32>,
    %get3A_186 = vector.shape_cast %get3A_185 : vector<1x16xf32> to vector<16xf32>
    %mul3A_187 = arith.mulf %get3A_186, %convert_element_type3A_180 : vector<16xf32>
    %add3A_188 = arith.addf %add3A_162, %mul3A_187 : vector<16xf32>
    %add3A_189 = arith.constant 1 : i32
    %add3A_190 = arith.addi %mul3A_146, %add3A_189 : i32
    %get3A_191 = arith.index_cast %add3A_190 : i32 to index
    %get3A_192 = arith.constant 16 : index
    %get3A_193 = tpu.vector_load %arg7[%get3A_191, %get3A_192] {strides = array<i32>} : memref<200x32xf32, #tpu.memory_space<vmem>>, vector<1x16xf32>,
    %get3A_194 = vector.shape_cast %get3A_193 : vector<1x16xf32> to vector<16xf32>
    %mul3A_195 = arith.mulf %get3A_194, %convert_element_type3A_180 : vector<16xf32>
    %add3A_196 = arith.addf %add3A_170, %mul3A_195 : vector<16xf32>
    %broadcast_in_dim3A_197 = arith.constant 2 : i32
    %broadcast_in_dim3A_198 = vector.broadcast %broadcast_in_dim3A_197 : i32 to vector<16xi32>
    %sub3A_199 = arith.subi %broadcast_in_dim3A_147, %broadcast_in_dim3A_198 : vector<16xi32>
    %max3A_200 = arith.constant 0 : i32
    %max3A_201 = vector.broadcast %max3A_200 : i32 to vector<16xi32>
    %max3A_202 = arith.maxsi %sub3A_199, %max3A_201 : vector<16xi32>
    %min3A_203 = arith.constant 1 : i32
    %min3A_204 = vector.broadcast %min3A_203 : i32 to vector<16xi32>
    %min3A_205 = arith.minsi %max3A_202, %min3A_204 : vector<16xi32>
    %convert_element_type3A_206 = arith.sitofp %min3A_205 : vector<16xi32> to vector<16xf32>
    %add3A_207 = arith.constant 2 : i32
    %add3A_208 = arith.addi %mul3A_146, %add3A_207 : i32
    %get3A_209 = arith.index_cast %add3A_208 : i32 to index
    %get3A_210 = arith.constant 0 : index
    %get3A_211 = tpu.vector_load %arg7[%get3A_209, %get3A_210] {strides = array<i32>} : memref<200x32xf32, #tpu.memory_space<vmem>>, vector<1x16xf32>,
    %get3A_212 = vector.shape_cast %get3A_211 : vector<1x16xf32> to vector<16xf32>
    %mul3A_213 = arith.mulf %get3A_212, %convert_element_type3A_206 : vector<16xf32>
    %add3A_214 = arith.addf %add3A_188, %mul3A_213 : vector<16xf32>
    %add3A_215 = arith.constant 2 : i32
    %add3A_216 = arith.addi %mul3A_146, %add3A_215 : i32
    %get3A_217 = arith.index_cast %add3A_216 : i32 to index
    %get3A_218 = arith.constant 16 : index
    %get3A_219 = tpu.vector_load %arg7[%get3A_217, %get3A_218] {strides = array<i32>} : memref<200x32xf32, #tpu.memory_space<vmem>>, vector<1x16xf32>,
    %get3A_220 = vector.shape_cast %get3A_219 : vector<1x16xf32> to vector<16xf32>
    %mul3A_221 = arith.mulf %get3A_220, %convert_element_type3A_206 : vector<16xf32>
    %add3A_222 = arith.addf %add3A_196, %mul3A_221 : vector<16xf32>
    %broadcast_in_dim3A_223 = vector.broadcast %squeeze3A_129 : i32 to vector<16xi32>
    %convert_element_type3A_224 = arith.sitofp %broadcast_in_dim3A_223 : vector<16xi32> to vector<16xf32>
    %div3A_225 = arith.divf %add3A_214, %convert_element_type3A_224 : vector<16xf32>
    %swap3A = arith.constant 126 : i32
    %swap3A_226 = arith.index_cast %swap3A : i32 to index
    %swap3A_227 = arith.constant 0 : index
    %swap3A_228 = tpu.vector_load %arg10[%swap3A_226, %swap3A_227] {strides = array<i32>} : memref<128x32xf32, #tpu.memory_space<vmem>>, vector<1x16xf32>,
    %swap3A_229 = vector.shape_cast %swap3A_228 : vector<1x16xf32> to vector<16xf32>
    %swap3A_230 = vector.shape_cast %div3A_225 : vector<16xf32> to vector<1x16xf32>
    tpu.vector_store %arg10[%swap3A_226, %swap3A_227], %swap3A_230 {strides = array<i32>} : memref<128x32xf32, #tpu.memory_space<vmem>>, vector<1x16xf32>,
    %div3A_231 = arith.divf %add3A_222, %convert_element_type3A_224 : vector<16xf32>
    %swap3A_232 = arith.constant 126 : i32
    %swap3A_233 = arith.index_cast %swap3A_232 : i32 to index
    %swap3A_234 = arith.constant 16 : index
    %swap3A_235 = tpu.vector_load %arg10[%swap3A_233, %swap3A_234] {strides = array<i32>} : memref<128x32xf32, #tpu.memory_space<vmem>>, vector<1x16xf32>,
    %swap3A_236 = vector.shape_cast %swap3A_235 : vector<1x16xf32> to vector<16xf32>
    %swap3A_237 = vector.shape_cast %div3A_231 : vector<16xf32> to vector<1x16xf32>
    tpu.vector_store %arg10[%swap3A_233, %swap3A_234], %swap3A_237 {strides = array<i32>} : memref<128x32xf32, #tpu.memory_space<vmem>>, vector<1x16xf32>,
    %get3A_238 = arith.constant 127 : index
    %get3A_239 = tpu.vector_load %arg9[%get3A_238] {strides = array<i32>} : memref<144xi32, #tpu.memory_space<vmem>>, vector<16xi32>,
    %get3A_240 = vector.shape_cast %get3A_239 : vector<16xi32> to vector<16xi32>
    %slice3A_241 = vector.extract_strided_slice %get3A_240 {offsets = [0], sizes = [1], strides = [1]} : vector<16xi32> to vector<1xi32>
    %squeeze3A_242 = vector.extract %slice3A_241[0] : i32 from vector<1xi32>
    %add3A_243 = arith.constant 40 : i32
    %add3A_244 = arith.addi %squeeze3A_242, %add3A_243 : i32
    %sub3A_245 = arith.constant 1 : i32
    %sub3A_246 = arith.subi %add3A_244, %sub3A_245 : i32
    %jit3A_247 = arith.constant 40 : i32
    %div3A_248 = arith.divsi %sub3A_246, %jit3A_247 : i32
    %sign3A_249 = arith.constant 0 : i32
    %sign3A_250 = arith.cmpi sgt, %sub3A_246, %sign3A_249 : i32
    %sign3A_251 = arith.extui %sign3A_250 : i1 to i32
    %sign3A_252 = arith.constant 0 : i32
    %sign3A_253 = arith.cmpi slt, %sub3A_246, %sign3A_252 : i32
    %sign3A_254 = arith.extui %sign3A_253 : i1 to i32
    %sign3A_255 = arith.subi %sign3A_251, %sign3A_254 : i32
    %sign3A_256 = arith.constant 0 : i32
    %sign3A_257 = arith.cmpi sgt, %jit3A_247, %sign3A_256 : i32
    %sign3A_258 = arith.extui %sign3A_257 : i1 to i32
    %sign3A_259 = arith.constant 0 : i32
    %sign3A_260 = arith.cmpi slt, %jit3A_247, %sign3A_259 : i32
    %sign3A_261 = arith.extui %sign3A_260 : i1 to i32
    %sign3A_262 = arith.subi %sign3A_258, %sign3A_261 : i32
    %ne3A_263 = arith.cmpi ne, %sign3A_255, %sign3A_262 : i32
    %rem3A_264 = arith.remsi %sub3A_246, %jit3A_247 : i32
    %ne3A_265 = arith.constant 0 : i32
    %ne3A_266 = arith.cmpi ne, %rem3A_264, %ne3A_265 : i32
    %and3A_267 = arith.andi %ne3A_263, %ne3A_266 : i1
    %sub3A_268 = arith.constant 1 : i32
    %sub3A_269 = arith.subi %div3A_248, %sub3A_268 : i32
    %select_n3A_270 = arith.select %and3A_267, %sub3A_269, %div3A_248 : i32
    %while3A_271 = arith.constant 0 : i32
    %while3A_272 = arith.constant 0 : i32
    %while3A_273 = arith.subi %select_n3A_270, %while3A_272 : i32
    %while3A_274 = arith.addi %while3A_272, %while3A_273 : i32
    %while3A_275 = arith.constant 1 : i32
    %while3A_276 = arith.divsi %while3A_273, %while3A_275 : i32
    %while3A_277 = arith.muli %while3A_276, %while3A_275 : i32
    %while3A_278 = arith.addi %while3A_272, %while3A_277 : i32
    %while3A_279 = arith.constant 1 : i32
    scf.for %while3A_400 = %while3A_272 to %while3A_278 step %while3A_279  : i32 {
      %mul3A_401 = arith.constant 40 : i32
      %mul3A_402 = arith.muli %while3A_400, %mul3A_401 : i32
      %multiple_of3A = tpu.assume_multiple %mul3A_402, 40 : i32
      %dma_wait3A = arith.constant 127 : i32
      %dma_wait3A_403 = arith.constant 0 : i32
      %dma_wait3A_404 = tpu.memref_slice %arg8[%multiple_of3A, %dma_wait3A_403] : memref<200x32xf32, #tpu.memory_space<vmem>> -> memref<40x32xf32, #tpu.memory_space<vmem>>
      %dma_wait3A_405 = tpu.memref_slice %arg6[%dma_wait3A, %multiple_of3A] : memref<128x200xi32, #tpu.memory_space<vmem>> -> memref<1x40xi32, #tpu.memory_space<vmem>>
      %dma_wait3A_406 = tpu.memref_squeeze %dma_wait3A_405 : memref<1x40xi32, #tpu.memory_space<vmem>> -> memref<40xi32, #tpu.memory_space<vmem>>
      %dma_wait3A_407 = arith.constant 0 : i32
      %dma_wait3A_408 = arith.constant 0 : i32
      %dma_wait3A_409 = tpu.memref_slice %arg4[%dma_wait3A_407, %dma_wait3A_408] : memref<1000000x32xf32, #tpu.memory_space<hbm>> -> memref<1000000x32xf32, #tpu.memory_space<hbm>>
      tpu.wait_indirect_dma semaphore(%arg12 : memref<!tpu.dma_semaphore, #tpu.memory_space<semaphore_mem>>) src(%dma_wait3A_409 : memref<1000000x32xf32, #tpu.memory_space<hbm>>) dst(%dma_wait3A_404 : memref<40x32xf32, #tpu.memory_space<vmem>>)
    }
    %while3A_280 = arith.constant 1 : i32
    scf.for %while3A_400 = %while3A_278 to %while3A_274 step %while3A_280  : i32 {
      %mul3A_401 = arith.constant 40 : i32
      %mul3A_402 = arith.muli %while3A_400, %mul3A_401 : i32
      %multiple_of3A = tpu.assume_multiple %mul3A_402, 40 : i32
      %dma_wait3A = arith.constant 127 : i32
      %dma_wait3A_403 = arith.constant 0 : i32
      %dma_wait3A_404 = tpu.memref_slice %arg8[%multiple_of3A, %dma_wait3A_403] : memref<200x32xf32, #tpu.memory_space<vmem>> -> memref<40x32xf32, #tpu.memory_space<vmem>>
      %dma_wait3A_405 = tpu.memref_slice %arg6[%dma_wait3A, %multiple_of3A] : memref<128x200xi32, #tpu.memory_space<vmem>> -> memref<1x40xi32, #tpu.memory_space<vmem>>
      %dma_wait3A_406 = tpu.memref_squeeze %dma_wait3A_405 : memref<1x40xi32, #tpu.memory_space<vmem>> -> memref<40xi32, #tpu.memory_space<vmem>>
      %dma_wait3A_407 = arith.constant 0 : i32
      %dma_wait3A_408 = arith.constant 0 : i32
      %dma_wait3A_409 = tpu.memref_slice %arg4[%dma_wait3A_407, %dma_wait3A_408] : memref<1000000x32xf32, #tpu.memory_space<hbm>> -> memref<1000000x32xf32, #tpu.memory_space<hbm>>
      tpu.wait_indirect_dma semaphore(%arg12 : memref<!tpu.dma_semaphore, #tpu.memory_space<semaphore_mem>>) src(%dma_wait3A_409 : memref<1000000x32xf32, #tpu.memory_space<hbm>>) dst(%dma_wait3A_404 : memref<40x32xf32, #tpu.memory_space<vmem>>)
    }
    %get3A_281 = arith.constant 127 : index
    %get3A_282 = tpu.vector_load %arg9[%get3A_281] {strides = array<i32>} : memref<144xi32, #tpu.memory_space<vmem>>, vector<16xi32>,
    %get3A_283 = vector.shape_cast %get3A_282 : vector<16xi32> to vector<16xi32>
    %slice3A_284 = vector.extract_strided_slice %get3A_283 {offsets = [0], sizes = [1], strides = [1]} : vector<16xi32> to vector<1xi32>
    %squeeze3A_285 = vector.extract %slice3A_284[0] : i32 from vector<1xi32>
    %shift_right_arithmetic3A_286 = arith.constant 2 : i32
    %shift_right_arithmetic3A_287 = arith.shrsi %squeeze3A_285, %shift_right_arithmetic3A_286 : i32
    %and3A_288 = arith.constant 3 : i32
    %and3A_289 = arith.andi %squeeze3A_285, %and3A_288 : i32
    %broadcast_in_dim3A_290 = arith.constant 0.000000e+00 : f32
    %broadcast_in_dim3A_291 = vector.broadcast %broadcast_in_dim3A_290 : f32 to vector<16xf32>
    %while3A_292 = arith.constant 0 : i32
    %while3A_293 = arith.subi %shift_right_arithmetic3A_287, %while3A_292 : i32
    %while3A_294 = arith.addi %while3A_292, %while3A_293 : i32
    %while3A_295 = arith.constant 1 : i32
    %while3A_296 = arith.divsi %while3A_293, %while3A_295 : i32
    %while3A_297 = arith.muli %while3A_296, %while3A_295 : i32
    %while3A_298 = arith.addi %while3A_292, %while3A_297 : i32
    %while3A_299 = arith.constant 1 : i32
    %while3A_300:2 = scf.for %while3A_400 = %while3A_292 to %while3A_298 step %while3A_299 iter_args(%while3A_401 = %broadcast_in_dim3A_291, %while3A_402 = %broadcast_in_dim3A_291) -> (vector<16xf32>, vector<16xf32>)  : i32 {
      %mul3A_403 = arith.constant 4 : i32
      %mul3A_404 = arith.muli %while3A_400, %mul3A_403 : i32
      %add3A_405 = arith.constant 0 : i32
      %add3A_406 = arith.addi %mul3A_404, %add3A_405 : i32
      %get3A_407 = arith.index_cast %add3A_406 : i32 to index
      %get3A_408 = arith.constant 0 : index
      %get3A_409 = tpu.vector_load %arg8[%get3A_407, %get3A_408] {strides = array<i32>} : memref<200x32xf32, #tpu.memory_space<vmem>>, vector<1x16xf32>,
      %get3A_410 = vector.shape_cast %get3A_409 : vector<1x16xf32> to vector<16xf32>
      %add3A_411 = arith.addf %while3A_401, %get3A_410 : vector<16xf32>
      %add3A_412 = arith.constant 0 : i32
      %add3A_413 = arith.addi %mul3A_404, %add3A_412 : i32
      %get3A_414 = arith.index_cast %add3A_413 : i32 to index
      %get3A_415 = arith.constant 16 : index
      %get3A_416 = tpu.vector_load %arg8[%get3A_414, %get3A_415] {strides = array<i32>} : memref<200x32xf32, #tpu.memory_space<vmem>>, vector<1x16xf32>,
      %get3A_417 = vector.shape_cast %get3A_416 : vector<1x16xf32> to vector<16xf32>
      %add3A_418 = arith.addf %while3A_402, %get3A_417 : vector<16xf32>
      %add3A_419 = arith.constant 1 : i32
      %add3A_420 = arith.addi %mul3A_404, %add3A_419 : i32
      %get3A_421 = arith.index_cast %add3A_420 : i32 to index
      %get3A_422 = arith.constant 0 : index
      %get3A_423 = tpu.vector_load %arg8[%get3A_421, %get3A_422] {strides = array<i32>} : memref<200x32xf32, #tpu.memory_space<vmem>>, vector<1x16xf32>,
      %get3A_424 = vector.shape_cast %get3A_423 : vector<1x16xf32> to vector<16xf32>
      %add3A_425 = arith.addf %add3A_411, %get3A_424 : vector<16xf32>
      %add3A_426 = arith.constant 1 : i32
      %add3A_427 = arith.addi %mul3A_404, %add3A_426 : i32
      %get3A_428 = arith.index_cast %add3A_427 : i32 to index
      %get3A_429 = arith.constant 16 : index
      %get3A_430 = tpu.vector_load %arg8[%get3A_428, %get3A_429] {strides = array<i32>} : memref<200x32xf32, #tpu.memory_space<vmem>>, vector<1x16xf32>,
      %get3A_431 = vector.shape_cast %get3A_430 : vector<1x16xf32> to vector<16xf32>
      %add3A_432 = arith.addf %add3A_418, %get3A_431 : vector<16xf32>
      %add3A_433 = arith.constant 2 : i32
      %add3A_434 = arith.addi %mul3A_404, %add3A_433 : i32
      %get3A_435 = arith.index_cast %add3A_434 : i32 to index
      %get3A_436 = arith.constant 0 : index
      %get3A_437 = tpu.vector_load %arg8[%get3A_435, %get3A_436] {strides = array<i32>} : memref<200x32xf32, #tpu.memory_space<vmem>>, vector<1x16xf32>,
      %get3A_438 = vector.shape_cast %get3A_437 : vector<1x16xf32> to vector<16xf32>
      %add3A_439 = arith.addf %add3A_425, %get3A_438 : vector<16xf32>
      %add3A_440 = arith.constant 2 : i32
      %add3A_441 = arith.addi %mul3A_404, %add3A_440 : i32
      %get3A_442 = arith.index_cast %add3A_441 : i32 to index
      %get3A_443 = arith.constant 16 : index
      %get3A_444 = tpu.vector_load %arg8[%get3A_442, %get3A_443] {strides = array<i32>} : memref<200x32xf32, #tpu.memory_space<vmem>>, vector<1x16xf32>,
      %get3A_445 = vector.shape_cast %get3A_444 : vector<1x16xf32> to vector<16xf32>
      %add3A_446 = arith.addf %add3A_432, %get3A_445 : vector<16xf32>
      %add3A_447 = arith.constant 3 : i32
      %add3A_448 = arith.addi %mul3A_404, %add3A_447 : i32
      %get3A_449 = arith.index_cast %add3A_448 : i32 to index
      %get3A_450 = arith.constant 0 : index
      %get3A_451 = tpu.vector_load %arg8[%get3A_449, %get3A_450] {strides = array<i32>} : memref<200x32xf32, #tpu.memory_space<vmem>>, vector<1x16xf32>,
      %get3A_452 = vector.shape_cast %get3A_451 : vector<1x16xf32> to vector<16xf32>
      %add3A_453 = arith.addf %add3A_439, %get3A_452 : vector<16xf32>
      %add3A_454 = arith.constant 3 : i32
      %add3A_455 = arith.addi %mul3A_404, %add3A_454 : i32
      %get3A_456 = arith.index_cast %add3A_455 : i32 to index
      %get3A_457 = arith.constant 16 : index
      %get3A_458 = tpu.vector_load %arg8[%get3A_456, %get3A_457] {strides = array<i32>} : memref<200x32xf32, #tpu.memory_space<vmem>>, vector<1x16xf32>,
      %get3A_459 = vector.shape_cast %get3A_458 : vector<1x16xf32> to vector<16xf32>
      %add3A_460 = arith.addf %add3A_446, %get3A_459 : vector<16xf32>
      scf.yield %add3A_453, %add3A_460 : vector<16xf32>, vector<16xf32>
    }
    %while3A_301 = arith.constant 1 : i32
    %while3A_302:2 = scf.for %while3A_400 = %while3A_298 to %while3A_294 step %while3A_301 iter_args(%while3A_401 = %while3A_300#0, %while3A_402 = %while3A_300#1) -> (vector<16xf32>, vector<16xf32>)  : i32 {
      %mul3A_403 = arith.constant 4 : i32
      %mul3A_404 = arith.muli %while3A_400, %mul3A_403 : i32
      %add3A_405 = arith.constant 0 : i32
      %add3A_406 = arith.addi %mul3A_404, %add3A_405 : i32
      %get3A_407 = arith.index_cast %add3A_406 : i32 to index
      %get3A_408 = arith.constant 0 : index
      %get3A_409 = tpu.vector_load %arg8[%get3A_407, %get3A_408] {strides = array<i32>} : memref<200x32xf32, #tpu.memory_space<vmem>>, vector<1x16xf32>,
      %get3A_410 = vector.shape_cast %get3A_409 : vector<1x16xf32> to vector<16xf32>
      %add3A_411 = arith.addf %while3A_401, %get3A_410 : vector<16xf32>
      %add3A_412 = arith.constant 0 : i32
      %add3A_413 = arith.addi %mul3A_404, %add3A_412 : i32
      %get3A_414 = arith.index_cast %add3A_413 : i32 to index
      %get3A_415 = arith.constant 16 : index
      %get3A_416 = tpu.vector_load %arg8[%get3A_414, %get3A_415] {strides = array<i32>} : memref<200x32xf32, #tpu.memory_space<vmem>>, vector<1x16xf32>,
      %get3A_417 = vector.shape_cast %get3A_416 : vector<1x16xf32> to vector<16xf32>
      %add3A_418 = arith.addf %while3A_402, %get3A_417 : vector<16xf32>
      %add3A_419 = arith.constant 1 : i32
      %add3A_420 = arith.addi %mul3A_404, %add3A_419 : i32
      %get3A_421 = arith.index_cast %add3A_420 : i32 to index
      %get3A_422 = arith.constant 0 : index
      %get3A_423 = tpu.vector_load %arg8[%get3A_421, %get3A_422] {strides = array<i32>} : memref<200x32xf32, #tpu.memory_space<vmem>>, vector<1x16xf32>,
      %get3A_424 = vector.shape_cast %get3A_423 : vector<1x16xf32> to vector<16xf32>
      %add3A_425 = arith.addf %add3A_411, %get3A_424 : vector<16xf32>
      %add3A_426 = arith.constant 1 : i32
      %add3A_427 = arith.addi %mul3A_404, %add3A_426 : i32
      %get3A_428 = arith.index_cast %add3A_427 : i32 to index
      %get3A_429 = arith.constant 16 : index
      %get3A_430 = tpu.vector_load %arg8[%get3A_428, %get3A_429] {strides = array<i32>} : memref<200x32xf32, #tpu.memory_space<vmem>>, vector<1x16xf32>,
      %get3A_431 = vector.shape_cast %get3A_430 : vector<1x16xf32> to vector<16xf32>
      %add3A_432 = arith.addf %add3A_418, %get3A_431 : vector<16xf32>
      %add3A_433 = arith.constant 2 : i32
      %add3A_434 = arith.addi %mul3A_404, %add3A_433 : i32
      %get3A_435 = arith.index_cast %add3A_434 : i32 to index
      %get3A_436 = arith.constant 0 : index
      %get3A_437 = tpu.vector_load %arg8[%get3A_435, %get3A_436] {strides = array<i32>} : memref<200x32xf32, #tpu.memory_space<vmem>>, vector<1x16xf32>,
      %get3A_438 = vector.shape_cast %get3A_437 : vector<1x16xf32> to vector<16xf32>
      %add3A_439 = arith.addf %add3A_425, %get3A_438 : vector<16xf32>
      %add3A_440 = arith.constant 2 : i32
      %add3A_441 = arith.addi %mul3A_404, %add3A_440 : i32
      %get3A_442 = arith.index_cast %add3A_441 : i32 to index
      %get3A_443 = arith.constant 16 : index
      %get3A_444 = tpu.vector_load %arg8[%get3A_442, %get3A_443] {strides = array<i32>} : memref<200x32xf32, #tpu.memory_space<vmem>>, vector<1x16xf32>,
      %get3A_445 = vector.shape_cast %get3A_444 : vector<1x16xf32> to vector<16xf32>
      %add3A_446 = arith.addf %add3A_432, %get3A_445 : vector<16xf32>
      %add3A_447 = arith.constant 3 : i32
      %add3A_448 = arith.addi %mul3A_404, %add3A_447 : i32
      %get3A_449 = arith.index_cast %add3A_448 : i32 to index
      %get3A_450 = arith.constant 0 : index
      %get3A_451 = tpu.vector_load %arg8[%get3A_449, %get3A_450] {strides = array<i32>} : memref<200x32xf32, #tpu.memory_space<vmem>>, vector<1x16xf32>,
      %get3A_452 = vector.shape_cast %get3A_451 : vector<1x16xf32> to vector<16xf32>
      %add3A_453 = arith.addf %add3A_439, %get3A_452 : vector<16xf32>
      %add3A_454 = arith.constant 3 : i32
      %add3A_455 = arith.addi %mul3A_404, %add3A_454 : i32
      %get3A_456 = arith.index_cast %add3A_455 : i32 to index
      %get3A_457 = arith.constant 16 : index
      %get3A_458 = tpu.vector_load %arg8[%get3A_456, %get3A_457] {strides = array<i32>} : memref<200x32xf32, #tpu.memory_space<vmem>>, vector<1x16xf32>,
      %get3A_459 = vector.shape_cast %get3A_458 : vector<1x16xf32> to vector<16xf32>
      %add3A_460 = arith.addf %add3A_446, %get3A_459 : vector<16xf32>
      scf.yield %add3A_453, %add3A_460 : vector<16xf32>, vector<16xf32>
    }
    %mul3A_303 = arith.constant 4 : i32
    %mul3A_304 = arith.muli %shift_right_arithmetic3A_287, %mul3A_303 : i32
    %broadcast_in_dim3A_305 = vector.broadcast %and3A_289 : i32 to vector<16xi32>
    %broadcast_in_dim3A_306 = arith.constant 0 : i32
    %broadcast_in_dim3A_307 = vector.broadcast %broadcast_in_dim3A_306 : i32 to vector<16xi32>
    %sub3A_308 = arith.subi %broadcast_in_dim3A_305, %broadcast_in_dim3A_307 : vector<16xi32>
    %max3A_309 = arith.constant 0 : i32
    %max3A_310 = vector.broadcast %max3A_309 : i32 to vector<16xi32>
    %max3A_311 = arith.maxsi %sub3A_308, %max3A_310 : vector<16xi32>
    %min3A_312 = arith.constant 1 : i32
    %min3A_313 = vector.broadcast %min3A_312 : i32 to vector<16xi32>
    %min3A_314 = arith.minsi %max3A_311, %min3A_313 : vector<16xi32>
    %convert_element_type3A_315 = arith.sitofp %min3A_314 : vector<16xi32> to vector<16xf32>
    %add3A_316 = arith.constant 0 : i32
    %add3A_317 = arith.addi %mul3A_304, %add3A_316 : i32
    %get3A_318 = arith.index_cast %add3A_317 : i32 to index
    %get3A_319 = arith.constant 0 : index
    %get3A_320 = tpu.vector_load %arg8[%get3A_318, %get3A_319] {strides = array<i32>} : memref<200x32xf32, #tpu.memory_space<vmem>>, vector<1x16xf32>,
    %get3A_321 = vector.shape_cast %get3A_320 : vector<1x16xf32> to vector<16xf32>
    %mul3A_322 = arith.mulf %get3A_321, %convert_element_type3A_315 : vector<16xf32>
    %add3A_323 = arith.addf %while3A_302#0, %mul3A_322 : vector<16xf32>
    %add3A_324 = arith.constant 0 : i32
    %add3A_325 = arith.addi %mul3A_304, %add3A_324 : i32
    %get3A_326 = arith.index_cast %add3A_325 : i32 to index
    %get3A_327 = arith.constant 16 : index
    %get3A_328 = tpu.vector_load %arg8[%get3A_326, %get3A_327] {strides = array<i32>} : memref<200x32xf32, #tpu.memory_space<vmem>>, vector<1x16xf32>,
    %get3A_329 = vector.shape_cast %get3A_328 : vector<1x16xf32> to vector<16xf32>
    %mul3A_330 = arith.mulf %get3A_329, %convert_element_type3A_315 : vector<16xf32>
    %add3A_331 = arith.addf %while3A_302#1, %mul3A_330 : vector<16xf32>
    %broadcast_in_dim3A_332 = arith.constant 1 : i32
    %broadcast_in_dim3A_333 = vector.broadcast %broadcast_in_dim3A_332 : i32 to vector<16xi32>
    %sub3A_334 = arith.subi %broadcast_in_dim3A_305, %broadcast_in_dim3A_333 : vector<16xi32>
    %max3A_335 = arith.constant 0 : i32
    %max3A_336 = vector.broadcast %max3A_335 : i32 to vector<16xi32>
    %max3A_337 = arith.maxsi %sub3A_334, %max3A_336 : vector<16xi32>
    %min3A_338 = arith.constant 1 : i32
    %min3A_339 = vector.broadcast %min3A_338 : i32 to vector<16xi32>
    %min3A_340 = arith.minsi %max3A_337, %min3A_339 : vector<16xi32>
    %convert_element_type3A_341 = arith.sitofp %min3A_340 : vector<16xi32> to vector<16xf32>
    %add3A_342 = arith.constant 1 : i32
    %add3A_343 = arith.addi %mul3A_304, %add3A_342 : i32
    %get3A_344 = arith.index_cast %add3A_343 : i32 to index
    %get3A_345 = arith.constant 0 : index
    %get3A_346 = tpu.vector_load %arg8[%get3A_344, %get3A_345] {strides = array<i32>} : memref<200x32xf32, #tpu.memory_space<vmem>>, vector<1x16xf32>,
    %get3A_347 = vector.shape_cast %get3A_346 : vector<1x16xf32> to vector<16xf32>
    %mul3A_348 = arith.mulf %get3A_347, %convert_element_type3A_341 : vector<16xf32>
    %add3A_349 = arith.addf %add3A_323, %mul3A_348 : vector<16xf32>
    %add3A_350 = arith.constant 1 : i32
    %add3A_351 = arith.addi %mul3A_304, %add3A_350 : i32
    %get3A_352 = arith.index_cast %add3A_351 : i32 to index
    %get3A_353 = arith.constant 16 : index
    %get3A_354 = tpu.vector_load %arg8[%get3A_352, %get3A_353] {strides = array<i32>} : memref<200x32xf32, #tpu.memory_space<vmem>>, vector<1x16xf32>,
    %get3A_355 = vector.shape_cast %get3A_354 : vector<1x16xf32> to vector<16xf32>
    %mul3A_356 = arith.mulf %get3A_355, %convert_element_type3A_341 : vector<16xf32>
    %add3A_357 = arith.addf %add3A_331, %mul3A_356 : vector<16xf32>
    %broadcast_in_dim3A_358 = arith.constant 2 : i32
    %broadcast_in_dim3A_359 = vector.broadcast %broadcast_in_dim3A_358 : i32 to vector<16xi32>
    %sub3A_360 = arith.subi %broadcast_in_dim3A_305, %broadcast_in_dim3A_359 : vector<16xi32>
    %max3A_361 = arith.constant 0 : i32
    %max3A_362 = vector.broadcast %max3A_361 : i32 to vector<16xi32>
    %max3A_363 = arith.maxsi %sub3A_360, %max3A_362 : vector<16xi32>
    %min3A_364 = arith.constant 1 : i32
    %min3A_365 = vector.broadcast %min3A_364 : i32 to vector<16xi32>
    %min3A_366 = arith.minsi %max3A_363, %min3A_365 : vector<16xi32>
    %convert_element_type3A_367 = arith.sitofp %min3A_366 : vector<16xi32> to vector<16xf32>
    %add3A_368 = arith.constant 2 : i32
    %add3A_369 = arith.addi %mul3A_304, %add3A_368 : i32
    %get3A_370 = arith.index_cast %add3A_369 : i32 to index
    %get3A_371 = arith.constant 0 : index
    %get3A_372 = tpu.vector_load %arg8[%get3A_370, %get3A_371] {strides = array<i32>} : memref<200x32xf32, #tpu.memory_space<vmem>>, vector<1x16xf32>,
    %get3A_373 = vector.shape_cast %get3A_372 : vector<1x16xf32> to vector<16xf32>
    %mul3A_374 = arith.mulf %get3A_373, %convert_element_type3A_367 : vector<16xf32>
    %add3A_375 = arith.addf %add3A_349, %mul3A_374 : vector<16xf32>
    %add3A_376 = arith.constant 2 : i32
    %add3A_377 = arith.addi %mul3A_304, %add3A_376 : i32
    %get3A_378 = arith.index_cast %add3A_377 : i32 to index
    %get3A_379 = arith.constant 16 : index
    %get3A_380 = tpu.vector_load %arg8[%get3A_378, %get3A_379] {strides = array<i32>} : memref<200x32xf32, #tpu.memory_space<vmem>>, vector<1x16xf32>,
    %get3A_381 = vector.shape_cast %get3A_380 : vector<1x16xf32> to vector<16xf32>
    %mul3A_382 = arith.mulf %get3A_381, %convert_element_type3A_367 : vector<16xf32>
    %add3A_383 = arith.addf %add3A_357, %mul3A_382 : vector<16xf32>
    %broadcast_in_dim3A_384 = vector.broadcast %squeeze3A_285 : i32 to vector<16xi32>
    %convert_element_type3A_385 = arith.sitofp %broadcast_in_dim3A_384 : vector<16xi32> to vector<16xf32>
    %div3A_386 = arith.divf %add3A_375, %convert_element_type3A_385 : vector<16xf32>
    %swap3A_387 = arith.constant 127 : i32
    %swap3A_388 = arith.index_cast %swap3A_387 : i32 to index
    %swap3A_389 = arith.constant 0 : index
    %swap3A_390 = tpu.vector_load %arg10[%swap3A_388, %swap3A_389] {strides = array<i32>} : memref<128x32xf32, #tpu.memory_space<vmem>>, vector<1x16xf32>,
    %swap3A_391 = vector.shape_cast %swap3A_390 : vector<1x16xf32> to vector<16xf32>
    %swap3A_392 = vector.shape_cast %div3A_386 : vector<16xf32> to vector<1x16xf32>
    tpu.vector_store %arg10[%swap3A_388, %swap3A_389], %swap3A_392 {strides = array<i32>} : memref<128x32xf32, #tpu.memory_space<vmem>>, vector<1x16xf32>,
    %div3A_393 = arith.divf %add3A_383, %convert_element_type3A_385 : vector<16xf32>
    %swap3A_394 = arith.constant 127 : i32
    %swap3A_395 = arith.index_cast %swap3A_394 : i32 to index
    %swap3A_396 = arith.constant 16 : index
    %swap3A_397 = tpu.vector_load %arg10[%swap3A_395, %swap3A_396] {strides = array<i32>} : memref<128x32xf32, #tpu.memory_space<vmem>>, vector<1x16xf32>,
    %swap3A_398 = vector.shape_cast %swap3A_397 : vector<1x16xf32> to vector<16xf32>
    %swap3A_399 = vector.shape_cast %div3A_393 : vector<16xf32> to vector<1x16xf32>
    tpu.vector_store %arg10[%swap3A_395, %swap3A_396], %swap3A_399 {strides = array<i32>} : memref<128x32xf32, #tpu.memory_space<vmem>>, vector<1x16xf32>,
    "tpu.region"() ({
      %run_scoped3A = tpu.sem_alloc : memref<!tpu.dma_semaphore, #tpu.memory_space<semaphore_mem>>
      %dma_start3A = arith.constant 0 : i32
      %dma_start3A_400 = tpu.memref_slice %arg5[%mul3A_2, %dma_start3A] : memref<4096x32xf32, #tpu.memory_space<hbm>> -> memref<128x32xf32, #tpu.memory_space<hbm>>
      %dma_start3A_401 = arith.constant 0 : i32
      %dma_start3A_402 = tpu.memref_slice %arg5[%mul3A_2, %dma_start3A_401] : memref<4096x32xf32, #tpu.memory_space<hbm>> -> memref<128x32xf32, #tpu.memory_space<hbm>>
      tpu.enqueue_dma source(%arg10 : memref<128x32xf32, #tpu.memory_space<vmem>>) target(%dma_start3A_402 : memref<128x32xf32, #tpu.memory_space<hbm>>) target_semaphore(%run_scoped3A : memref<!tpu.dma_semaphore, #tpu.memory_space<semaphore_mem>>)
      %dma_wait3A = arith.constant 0 : i32
      %dma_wait3A_403 = tpu.memref_slice %arg5[%mul3A_2, %dma_wait3A] : memref<4096x32xf32, #tpu.memory_space<hbm>> -> memref<128x32xf32, #tpu.memory_space<hbm>>
      %dma_wait3A_404 = arith.constant 0 : i32
      %dma_wait3A_405 = tpu.memref_slice %arg5[%mul3A_2, %dma_wait3A_404] : memref<4096x32xf32, #tpu.memory_space<hbm>> -> memref<128x32xf32, #tpu.memory_space<hbm>>
      tpu.wait_dma2 semaphore(%run_scoped3A : memref<!tpu.dma_semaphore, #tpu.memory_space<semaphore_mem>>) src(%arg10 : memref<128x32xf32, #tpu.memory_space<vmem>>) dst(%dma_wait3A_405 : memref<128x32xf32, #tpu.memory_space<hbm>>)
      tpu.yield
    }) : () -> ()
    return
  }
}

</mosaic_0001>

<sc_bundles>
// kernel: kernel.3.cloned.1.call-start
scs
__scs_entry_jumppad:
0x0: {  	(pc) =	sbr.rel $0x88, $3  }
0x1: {  	(tag) =	ssettag $0x0;
	lr =	simm.s32 $0x1  }
0x2: {  	[smem:$0x3F9E] =	sst lr;
	_ =	strace $0xD0000000  }
0x3: {  	_ = 	snop  }
0x4: {  	_ = 	snop  }
0x5: {  	_ = 	snop  }
0x6: {  	_ = 	snop  }
0x7: {  	_ = 	snop  }
__scs_overlays_trampoline_lowered:
0x8: {  	[smem:$0x3FAD] =	sst s0  }
0x9: {  	[smem:$0x3FAE] =	sst s1  }
0xa: {  	[smem:$0x3FAF] =	sst s2  }
0xb: {  	[smem:$0x3FB0] =	sst s3  }
0xc: {  	[smem:$0x3FB1] =	sst s4  }
0xd: {  	[smem:$0x3FB2] =	sst s5  }
0xe: {  	[smem:$0x3FB3] =	sst s6  }
0xf: {  	[smem:$0x3FB4] =	sst s7  }
0x10: {  	[smem:$0x3FB5] =	sst s8  }
0x11: {  	[smem:$0x3FB6] =	sst s9;
	s0 =	simm.s32 @!p0 $0x0  }
0x12: {  	s1 =	sld [smem:$0x3F9C];
	s0 =	simm.s32 @p0 $0x1  }
0x13: {  	[smem:$0x3FB7] =	sst s0;
	s0 =	simm.s32 @!p1 $0x0  }
0x14: {  	s2 =	sld [smem:$0x3F9B];
	s0 =	simm.s32 @p1 $0x1  }
0x15: {  	[smem:$0x3FB8] =	sst s0;
	s0 =	simm.s32 @!p2 $0x0  }
0x16: {  	s3 =	sld [smem:$0x3FDB];
	s0 =	simm.s32 @p2 $0x1  }
0x17: {  	s4 =	simm.s32 $0x1BF5;
	[smem:$0x3FBA] =	sst s0  }
0x18: {  	s0 =	sld [smem:$0x3F9D];
	_ =	swait.ge [sflag:s4], $0x0  }
0x19: {  	s7 =	sld [smem:$0x3F9E]  }
0x1a: {  	s8 =	sadd.s32 $0xFFFFE003, lr  }
0x1b: {  	s9 =	sadd.s32 $0xFFFFFEF7, lr;
	s5 =	simm.s32 $0xFFFFFFFF;
	p2 =	slt.u32 s8, $0xFFFFF086  }
0x1c: {  	p1 =	slt.u32 s9, $0xF7A;
	s5 =	simm.s32 @!p2 $0x0  }
0x1d: {  	s5 =	simm.s32 @p1 $0x1;
	p0 =	seq.s32 s7, s2  }
0x1e: {  	s7 =	smul.u32 @!p0 $0xF7A, s2;
	p2 =	seq.s32 @!p0 s5, $0x0  }
0x1f: {  	s9 =	smul.u32 $0xF7A, s1;
	s8 =	simm.s32 @!p0 $0x1BF5;
	p2 =	por !p2, p0  }
0x20: {  	[sflag:s8] =	ssyncset.s32 @!p0 $0xFFFFF086;
	s6 =	sadd.s32 @!p0 s3, s7;
	s7 =	simm.s32 @!p0 $0x108  }
0x21: {  	s3 =	sadd.s32 s3, s9;
	s6 =	sadd.s32 @!p0 $0x88, s6;
	s7 =	simm.s32 @p2 $0x1082  }
0x22: {  	[simem:s7], [sflag:s8] =	dma.local @!p0 [hbm:s6], $0xF7A  }
0x23: {  	s9 =	sor.u32 $0xD0000000, s2;
	s6 =	simm.s32 $0x108;
	_ =	swait.ge @!p0 [sflag:s8], $0x0  }
0x24: {  	s3 =	sadd.s32 $0x88, s3;
	s6 =	simm.s32 @!p1 $0x1082;
	[sflag:s4] =	ssyncset.s32 $0xFFFFF086  }
0x25: {  	[simem:s6], [sflag:s4] =	dma.local [hbm:s3], $0xF7A  }
0x26: {  	[smem:$0x3F9E] =	sst s1;
	(tag) =	ssettag s2;
	_ =	strace s9  }
0x27: {  	s1 =	sld [smem:$0x3FAE]  }
0x28: {  	s2 =	sld [smem:$0x3FAF]  }
0x29: {  	s4 =	sld [smem:$0x3FB1]  }
0x2a: {  	p0 =	seq.s32 s5, $0x0;
	s5 =	sld [smem:$0x3FB2]  }
0x2b: {  	s6 =	sld [smem:$0x3FB3]  }
0x2c: {  	s7 =	sld [smem:$0x3FB4]  }
0x2d: {  	s3 =	simm.s32 $0x108;
	s8 =	sld [smem:$0x3FB5]  }
0x2e: {  	s3 =	simm.s32 @!p0 $0x1082;
	s9 =	sld [smem:$0x3FB6]  }
0x2f: {  	lr =	sadd.s32 s0, s3;
	s0 =	sld [smem:$0x3FAD]  }
0x30: {  	s3 =	sld [smem:$0x3FB0]  }
0x31: {  	[smem:$0x3FB9] =	sst s10  }
0x32: {  	s10 =	sld [smem:$0x3FB7];
	_ =	sdelay $0x3  }
0x33: {  	p0 =	seq.s32 s10, $0x1;
	s10 =	sld [smem:$0x3FB9];
	_ =	sdelay $0x3  }
0x34: {  	[smem:$0x3FB9] =	sst s10  }
0x35: {  	s10 =	sld [smem:$0x3FB8];
	_ =	sdelay $0x3  }
0x36: {  	p1 =	seq.s32 s10, $0x1;
	s10 =	sld [smem:$0x3FB9];
	_ =	sdelay $0x3  }
0x37: {  	[smem:$0x3FB9] =	sst s10  }
0x38: {  	s10 =	sld [smem:$0x3FBA]  }
0x39: {  	_ = 	snop;
	(pc) =	sbr.ind lr, $3  }
0x3a: {  	_ = 	snop  }
0x3b: {  	_ = 	snop  }
0x3c: {  	p2 =	seq.s32 s10, $0x1;
	s10 =	sld [smem:$0x3FB9]  }
0x3d: {  	_ =	shalt  }
0x3e: {  	_ =	shalt  }
0x3f: {  	_ =	shalt  }
0x40: {  	_ =	shalt  }
0x41: {  	_ =	shalt  }
0x42: {  	_ =	shalt  }
0x43: {  	_ =	shalt  }
0x44: {  	_ =	shalt  }
0x45: {  	_ =	shalt  }
0x46: {  	_ =	shalt  }
0x47: {  	_ =	shalt  }
0x48: {  	_ =	shalt  }
0x49: {  	_ =	shalt  }
0x4a: {  	_ =	shalt  }
0x4b: {  	_ =	shalt  }
0x4c: {  	_ =	shalt  }
0x4d: {  	_ =	shalt  }
0x4e: {  	_ =	shalt  }
0x4f: {  	_ =	shalt  }
0x50: {  	_ =	shalt  }
0x51: {  	_ =	shalt  }
0x52: {  	_ =	shalt  }
0x53: {  	_ =	shalt  }
0x54: {  	_ =	shalt  }
0x55: {  	_ =	shalt  }
0x56: {  	_ =	shalt  }
0x57: {  	_ =	shalt  }
0x58: {  	_ =	shalt  }
0x59: {  	_ =	shalt  }
0x5a: {  	_ =	shalt  }
0x5b: {  	_ =	shalt  }
0x5c: {  	_ =	shalt  }
0x5d: {  	_ =	shalt  }
0x5e: {  	_ =	shalt  }
0x5f: {  	_ =	shalt  }
0x60: {  	_ =	shalt  }
0x61: {  	_ =	shalt  }
0x62: {  	_ =	shalt  }
0x63: {  	_ =	shalt  }
0x64: {  	_ =	shalt  }
0x65: {  	_ =	shalt  }
0x66: {  	_ =	shalt  }
0x67: {  	_ =	shalt  }
0x68: {  	_ =	shalt  }
0x69: {  	_ =	shalt  }
0x6a: {  	_ =	shalt  }
0x6b: {  	_ =	shalt  }
0x6c: {  	_ =	shalt  }
0x6d: {  	_ =	shalt  }
0x6e: {  	_ =	shalt  }
0x6f: {  	_ =	shalt  }
0x70: {  	_ =	shalt  }
0x71: {  	_ =	shalt  }
0x72: {  	_ =	shalt  }
0x73: {  	_ =	shalt  }
0x74: {  	_ =	shalt  }
0x75: {  	_ =	shalt  }
0x76: {  	_ =	shalt  }
0x77: {  	_ =	shalt  }
0x78: {  	_ =	shalt  }
0x79: {  	_ =	shalt  }
0x7a: {  	_ =	shalt  }
0x7b: {  	_ =	shalt  }
0x7c: {  	_ =	shalt  }
0x7d: {  	_ =	shalt  }
0x7e: {  	_ =	shalt  }
0x7f: {  	_ =	shalt  }
0x80: {  	_ =	shalt  }
0x81: {  	_ =	shalt  }
0x82: {  	_ =	shalt  }
0x83: {  	_ =	shalt  }
0x84: {  	_ =	shalt  }
0x85: {  	_ =	shalt  }
0x86: {  	_ =	shalt  }
0x87: {  	_ =	shalt  }
.Lfunc_end0:
.L_simem_size_0:
called_computation_lowered:
.L_overlay_start_0:
0x88: {  	s2 =	sld [smem:$0x3FD9]  }
0x89: {  	s3 =	sld [smem:$0x3FFE];
	_ =	sdelay $0x1  }
0x8a: {  	s1 =	srdreg.scid  }
0x8b: {  	s0 =	sand.u32 $0x1, s1  }
0x8c: {  	s17 =	sshll.u32 s0, $0xA;
	s2 =	sadd.s32 s3, s2  }
0x8d: {  	s2 =	sadd.s32 s2, s17  }
0x8e: {  	[smem:$0x3FC5] =	sst s2  }
0x8f: {  	_ = 	snop  }
0x90: {  	s2 =	sld [smem:$0x3FC8]  }
0x91: {  	s18 =	sld [smem:$0x3FD0];
	(tm) =	ssettm $0x1  }
0x92: {  	s4 =	sld [smem:$0x3FFB];
	_ =	sdelay $0x3  }
0x93: {  	_ =	strace s4  }
0x94: {  	s4 =	sld [smem:$0x3FFC];
	_ =	sdelay $0x3  }
0x95: {  	_ =	strace s4  }
0x96: {  	s4 =	sld [smem:$0x3FFD];
	_ =	sdelay $0x3  }
0x97: {  	_ =	strace s4  }
0x98: {  	_ =	strace $0x8FFFFFFF  }
0x99: {  	s19 =	sld [smem:$0x3FDB];
	_ =	sdelay $0x1  }
0x9a: {  	s5 =	simm.s32 $_scs_section_size  }
0x9b: {  	s6 =	simm.s32 $_size__tile_overlayer_lowered;
	s7 =	simm.s32 $_tile_overlayer_lowered  }
0x9c: {  	s22 =	simm.s32 $0x1BFF;
	s21 =	sshll.u32 s7, $0x1;
	s4 =	sadd.s32 s5, s19  }
0x9d: {  	s8 =	simm.s32 $0x0;
	s20 =	sshll.u32 s6, $0x1;
	s6 =	sadd.s32 s21, s4  }
0x9e: {  	[timem:s8], [sflag:s22] =	dma.local [hbm:s6], s20  }
0x9f: {  	_ =	swait.ge [sflag:s22], s20  }
0xa0: {  	s5 =	ssub.s32 $0x0, s20;
	[sflag:s22] =	ssyncset.done $0x0  }
0xa1: {  	[sflag:s22] =	ssyncadd.s32 s5;
	_ =	sdelay $0x1  }
0xa2: {  	s23 =	simm.s32 $0x1B8B  }
0xa3: {  	_ =	swait.ge [sflag:s23], $0x1  }
0xa4: {  	[sflag:s23] =	ssyncset.done $0x0  }
0xa5: {  	s25 =	simm.s32 $0x1B8E;
	s24 =	sld [smem:$0x3FFE];
	[sflag:s23] =	ssyncadd.s32 $0xFFFFFFFF  }
0xa6: {  	s26 =	simm.s32 $execute0_lowered;
	[smem:$0x3FD2] =	sst s25  }
0xa7: {  	s6 =	sshll.u32 s26, $0x1;
	_ =	strace $0x80000046;
	[dreg:$0x1] =	wrdreg $0xFFFFFFFF  }
0xa8: {  	s28 =	simm.s32 $_size_execute0_lowered;
	s4 =	sadd.s32 s4, s6;
	[dreg:$0x0] =	wrdreg $0x0  }
0xa9: {  	s6 =	sshll.u32 s28, $0x1;
	[dreg:$0x2] =	wrdreg s4  }
0xaa: {  	[dreg:$0x3] =	wrdreg s6  }
0xab: {  	[dreg:$0x4] =	wrdreg $0xC0  }
0xac: {  	_ =	task [dreg:s8], $0x5FFFF  }
0xad: {  	[dreg:$0x1] =	wrdreg $0xFFFFFFFF  }
0xae: {  	[dreg:$0x0] =	wrdreg $0x60  }
0xaf: {  	[dreg:$0x2] =	wrdreg s24  }
0xb0: {  	[dreg:$0x3] =	wrdreg s2  }
0xb1: {  	[dreg:$0x4] =	wrdreg s18  }
0xb2: {  	[dreg:$0x5] =	wrdreg $0x9  }
0xb3: {  	_ =	task.clear_ibuf [dreg:s8], $0x6FFFF;
	_ =	strace $0x90000046  }
0xb4: {  	s29 =	simm.s32 $0x9;
	_ =	strace $0x80000048  }
0xb5: {  	_ =	swait.ge [sflag:s29], $0x1  }
0xb6: {  	[sflag:s29] =	ssyncadd.s32 $0xFFFFFFFF  }
0xb7: {  	_ =	strace $0x90000048  }
0xb8: {  	_ =	sfence  }
0xb9: {  	s30 =	sld [smem:$0x0];
	_ =	sdelay $0x2  }
0xba: {  	s31 =	sshll.u32 s1, $0xD;
	s1 =	sshrl.u32 s1, $0x2  }
0xbb: {  	s3 =	sand.u32 $0x4000, s31;
	s1 =	sadd.s32 s1, s30  }
0xbc: {  	s0 =	sor.u32 s3, s0;
	s1 =	sshll.u32 s1, $0x11  }
0xbd: {  	s0 =	sor.u32 s1, s0  }
0xbe: {  	s0 =	sadd.s32 $0x8F2B, s0  }
0xbf: {  	[sflag:s0] =	ssyncadd.remote.s32 $0x1  }
0xc0: {  	_ =	sfence.sel $0xFFFF  }
0xc1: {  	[dreg:$0x0] =	wrdreg $0xFFFFFFFF;
	(pc) =	sbr.abs _section_cstart, $3  }
0xc2: {  	[dreg:$0x1] =	wrdreg $0xFFFFFFFF  }
0xc3: {  	_ =	task.clear_ibuf [dreg:s8], $0x2FFFF;
	_ =	strace $0x9FFFFFFF  }
0xc4: {  	(tm) =	ssettm $0x7FFFFFFF  }
0xc5: {  	_ =	shalt  }
tec
execute0_lowered:
.L_overlay_start_1:
0x0: {  	(tag) =	ssettag $0x1  }
0x1: {  	s3 =	rddreg [dreg:$0x0]  }
0x2: {  	s1 =	srdreg.scid;
	s5 =	rddreg [dreg:$0x1]  }
0x3: {  	s0 =	stileid.u32;
	s6 =	rddreg [dreg:$0x2];
	s10 =	simm.s32 $0x1  }
0x4: {  	s11 =	simm.s32 $0x28;
	s12 =	simm.s32 $0x2;
	s4 =	sand.u32 $0x1, s1  }
0x5: {  	s13 =	simm.s32 $0x9690;
	s30 =	sshll.u32 s0, $0x8;
	s2 =	sshll.u32 s4, $0x7  }
0x6: {  	s14 =	simm.s32 $0x0;
	s1 =	rddreg [dreg:$0x3];
	s7 =	sor.u32 s2, s30  }
0x7: {  	s4 =	ssub.s32 $0x2, s4;
	s2 =	simm.s32 $0x0;
	s8 =	smul.u32 $0x19, s7  }
.Ltmp0:
0x8: {  	s9 =	sshrl.u32 s4, $0x1;
	[smem:$0x7FF] =	sst s2;
	(pc) =	sbr.rel .LBB2_1-.Ltmp0, $4  }
0x9: {  	s9 =	ssub.s32 s4, s9;
	s31 =	sshrl.u32 s7, $0x3;
	s7 =	sshll.u32 s7, $0x2  }
0xa: {  	_ =	strace $0x80000047;
	s4 =	sadd.s32 s5, s31;
	s6 =	sadd.s32 s6, s7  }
0xb: {  	s7 =	smax.u32 s9, $0x1;
	s9 =	simm.s32 $0x3;
	s8 =	sadd.s32 s8, s3  }
0xc: {  	v0 =	vimm.s32 $0x0;
	s3 =	sadd.s32 $0xF42A00, s3;
	s5 =	sadd.s32 $0x600, s8;
	s8 =	simm.s32 $0x9600  }
.LBB2_53:
0xd: {  	v3 =	vimm.f32 $0.0e+00  }
.LBB2_59:
0xe: {  	s16 =	sshll.u32 s15, $0x5  }
0xf: {  	s16 =	sand.u32 $0xFFFFFF80, s16  }
0x10: {  	v1 =	vcvt.s32.f32 v1;
	s31 =	sand.u32 $0x3, s15;
	v6 =	vld [tilespmem:s16+$0x7D10]  }
0x11: {  	v5 =	vmov s31;
	v4 =	vld [tilespmem:s16+$0x7D00]  }
0x12: {  	v1 =	vbroadcast v1, $0x0;
	v7 =	vmin.u32 v5, $0x1;
	v9 =	vld [tilespmem:s16+$0x7D30]  }
0x13: {  	v8 =	vld [tilespmem:s16+$0x7D20];
	v7 =	vcvt.s32.f32 v7  }
0x14: {  	(erf) = vrcp.f32 v1  }
0x15: {  	vm0 =	vgt.u32 v5, $0x1;
	v1 =	vld [tilespmem:s16+$0x7D40];
	v6 =	vmul.f32 v7, v6  }
0x16: {  	v10 =	vld [tilespmem:s16+$0x7D50];
	v59 =	vsel vm0, $0x3F800000, v0;
	v4 =	vmul.f32 v7, v4  }
0x17: {  	v61 =	vmul.f32 v59, v9;
	v3 =	vadd.f32 v6, v3  }
0x18: {  	vm15 =	veq.s32 v5, $0x3;
	v60 =	vmul.f32 v59, v8;
	v2 =	vadd.f32 v4, v2  }
0x19: {  	v62 =	vsel vm15, $0x3F800000, v0;
	v3 =	vadd.f32 v61, v3  }
0x1a: {  	v1 =	vmul.f32 v62, v1;
	v2 =	vadd.f32 v60, v2  }
0x1b: {  	v63 =	vmul.f32 v62, v10  }
0x1c: {  	v1 =	vadd.f32 v1, v2  }
0x1d: {  	v2 =	vadd.f32 v63, v3;
	v3 =	vpop (erf)  }
0x1e: {  	v1 =	vmul.f32 v1, v3  }
0x1f: {  	s14 =	sadd.s32 $0x1, s14;
	v2 =	vmul.f32 v2, v3  }
0x20: {  	p0 =	sne.s32 s14, s7;
	[tilespmem:$0xA670] =	vst v1  }
.Ltmp1:
0x21: {  	[tilespmem:$0xA680] =	vst v2;
	(pc) =	sbr.rel @!p0 .LBB2_60-.Ltmp1, $4  }
0x22: {  	[hbm4b:s6+s2] =	stream.linear.scatter [tilespmem:s13], [sflag:$0x3], $0x1000, $0x38;
	[tilespmem:$0xA690] =	vst v63  }
0x23: {  	_ =	swait.ge [sflag:s9], $0x1000  }
0x24: {  	[sflag:s9] =	ssyncset.done $0x0  }
0x25: {  	[sflag:s9] =	ssyncadd.s32 $0xFFFFF000  }
.LBB2_1:
0x26: {  	[tilespmem:s8], [sflag:$0x3] =	stream.linear.gather [hbm4b:s4+s2], $0x80, $0x38;
	[tilespmem:$0xA690] =	vst v63  }
0x27: {  	_ =	swait.ge [sflag:s9], $0x80  }
0x28: {  	[sflag:s9] =	ssyncset.done $0x0  }
0x29: {  	[sflag:s9] =	ssyncadd.s32 $0xFFFFFF80  }
0x2a: {  	[tilespmem:s2], [sflag:$0x3] =	stream.linear.gather [hbm4b:s5+s2], $0x6400, $0x38;
	[tilespmem:$0xA690] =	vst v63  }
0x2b: {  	_ =	swait.ge [sflag:s9], $0x6400  }
0x2c: {  	[sflag:s9] =	ssyncset.done $0x0  }
0x2d: {  	[sflag:s9] =	ssyncadd.s32 $0xFFFF9C00  }
0x2e: {  	v1 =	vld [tilespmem:$0x9600];
	_ =	sdelay $0x4  }
0x2f: {  	(v2sf) =	vpush v1, $0x0;
	_ =	sdelay $0xe  }
0x30: {  	s15 =	spop (v2sf)  }
0x31: {  	s16 =	sadd.s32 $0x27, s15  }
0x32: {  	s17 =	smulhi.u32 $0x66666667, s16;
	s18 =	sshra.s32 s16, $0x1F  }
0x33: {  	s18 =	smul.u32 $0x66666667, s18;
	_ =	sdelay $0x1  }
0x34: {  	s17 =	sadd.s32 s18, s17  }
0x35: {  	s18 =	sshrl.u32 s17, $0x1F;
	s17 =	sshra.s32 s17, $0x4  }
0x36: {  	s17 =	sadd.s32 s18, s17  }
0x37: {  	s18 =	smul.u32 $0xFFFFFFD8, s17  }
0x38: {  	s15 =	ssub.s32 $0xFFFFFFD9, s15  }
0x39: {  	p0 =	slt.s32 s16, $0x1;
	p1 =	sne.s32 s18, s15  }
0x3a: {  	p0 =	por !p0, !p1  }
0x3b: {  	s15 =	simm.s32 $0x1;
	p0 =	por !p0, !p0  }
0x3c: {  	s15 =	simm.s32 @!p0 $0x0  }
0x3d: {  	s16 =	ssub.s32 s17, s15  }
0x3e: {  	p0 =	slt.s32 s16, $0x1  }
.Ltmp2:
0x3f: {  	_ = 	snop;
	(pc) =	sbr.rel @p0 .LBB2_4-.Ltmp2, $2  }
0x40: {  	_ =	sdelay $0x2  }
0x41: {  	s15 =	simm.s32 $0x6400  }
0x42: {  	p0 =	sne.s32 s16, $0x1  }
.Ltmp3:
0x43: {  	_ = 	snop;
	(pc) =	sbr.rel @!p0 .LBB2_4-.Ltmp3, $3  }
0x44: {  	_ =	sdelay $0x1  }
0x45: {  	[tilespmem:s15], [sflag:$0x1] =	stream.indirect.gather [hbm4b:s3+s11], $0x20, s2, s11, $0xb8;
	[tilespmem:$0xA690] =	vst v63  }
0x46: {  	s16 =	sadd.s32 $0xFFFFFFFF, s16;
	s17 =	simm.s32 $0x0  }
.LBB2_3:
0x47: {  	p0 =	sne.s32 s16, $0x1  }
.Ltmp4:
0x48: {  	_ = 	snop;
	(pc) =	sbr.rel @p0 .LBB2_3-.Ltmp4, $4  }
0x49: {  	_ = 	snop  }
0x4a: {  	s17 =	sadd.s32 $0x28, s17;
	s15 =	sadd.s32 $0x500, s15  }
0x4b: {  	s16 =	sadd.s32 $0xFFFFFFFF, s16  }
0x4c: {  	[tilespmem:s15], [sflag:$0x1] =	stream.indirect.gather [hbm4b:s3+s11], $0x20, s17, s11, $0xb8;
	[tilespmem:$0xA690] =	vst v63  }
.LBB2_4:
0x4d: {  	v1 =	vld [tilespmem:$0x9601];
	_ =	sdelay $0x4  }
0x4e: {  	(v2sf) =	vpush v1, $0x0;
	_ =	sdelay $0xe  }
0x4f: {  	s15 =	spop (v2sf)  }
0x50: {  	s16 =	sadd.s32 $0x27, s15  }
0x51: {  	s17 =	smulhi.u32 $0x66666667, s16;
	s18 =	sshra.s32 s16, $0x1F  }
0x52: {  	s18 =	smul.u32 $0x66666667, s18;
	_ =	sdelay $0x1  }
0x53: {  	s17 =	sadd.s32 s18, s17  }
0x54: {  	s18 =	sshrl.u32 s17, $0x1F;
	s17 =	sshra.s32 s17, $0x4  }
0x55: {  	s17 =	sadd.s32 s18, s17  }
0x56: {  	s18 =	smul.u32 $0xFFFFFFD8, s17  }
0x57: {  	s15 =	ssub.s32 $0xFFFFFFD9, s15  }
0x58: {  	p0 =	slt.s32 s16, $0x1;
	p1 =	sne.s32 s18, s15  }
0x59: {  	p0 =	por !p0, !p1  }
0x5a: {  	s15 =	simm.s32 $0x1;
	p0 =	por !p0, !p0  }
0x5b: {  	s15 =	simm.s32 @!p0 $0x0  }
0x5c: {  	s17 =	ssub.s32 s17, s15  }
0x5d: {  	p0 =	slt.s32 s17, $0x1  }
.Ltmp5:
0x5e: {  	_ = 	snop;
	(pc) =	sbr.rel @p0 .LBB2_7-.Ltmp5, $1  }
0x5f: {  	_ =	sdelay $0x3  }
0x60: {  	p0 =	sne.s32 s17, $0x1  }
.Ltmp6:
0x61: {  	_ = 	snop;
	(pc) =	sbr.rel @!p0 .LBB2_7-.Ltmp6, $3  }
0x62: {  	_ =	sdelay $0x1  }
0x63: {  	s15 =	simm.s32 $0xC8;
	s16 =	simm.s32 $0x7D00;
	s17 =	sadd.s32 $0xFFFFFFFF, s17  }
0x64: {  	[tilespmem:s16], [sflag:$0x2] =	stream.indirect.gather [hbm4b:s3+s11], $0x20, s15, s11, $0xb8;
	[tilespmem:$0xA690] =	vst v63  }
.LBB2_6:
0x65: {  	p0 =	sne.s32 s17, $0x1  }
.Ltmp7:
0x66: {  	_ = 	snop;
	(pc) =	sbr.rel @p0 .LBB2_6-.Ltmp7, $4  }
0x67: {  	_ = 	snop  }
0x68: {  	s15 =	sadd.s32 $0x28, s15;
	s16 =	sadd.s32 $0x500, s16  }
0x69: {  	s17 =	sadd.s32 $0xFFFFFFFF, s17  }
0x6a: {  	[tilespmem:s16], [sflag:$0x2] =	stream.indirect.gather [hbm4b:s3+s11], $0x20, s15, s11, $0xb8;
	[tilespmem:$0xA690] =	vst v63  }
.LBB2_7:
.Ltmp8:
0x6b: {  	(pc) =	sbr.rel .LBB2_8-.Ltmp8, $2  }
0x6c: {  	_ =	sdelay $0x2  }
0x6d: {  	s15 =	simm.s32 $0x0;
	s16 =	simm.s32 $0x190;
	s17 =	simm.s32 $0x258  }
.LBB2_36:
0x6e: {  	s15 =	sadd.s32 $0x1, s15  }
0x6f: {  	p0 =	sne.s32 s15, $0x3F  }
.Ltmp9:
0x70: {  	_ = 	snop;
	(pc) =	sbr.rel @!p0 .LBB2_37-.Ltmp9, $2  }
0x71: {  	_ =	sdelay $0x2  }
0x72: {  	s16 =	sadd.s32 $0x190, s16;
	s17 =	sadd.s32 $0x190, s17  }
.LBB2_8:
0x73: {  	s18 =	sshll.u32 s15, $0x1  }
0x74: {  	v1 =	vld [tilespmem:s18+$0x9600];
	_ =	sdelay $0x4  }
0x75: {  	(v2sf) =	vpush v1, $0x0;
	_ =	sdelay $0xe  }
0x76: {  	s19 =	spop (v2sf)  }
0x77: {  	s20 =	sadd.s32 $0x27, s19  }
0x78: {  	s21 =	smulhi.u32 $0x66666667, s20;
	s22 =	sshra.s32 s20, $0x1F  }
0x79: {  	s22 =	smul.u32 $0x66666667, s22;
	_ =	sdelay $0x1  }
0x7a: {  	s21 =	sadd.s32 s22, s21  }
0x7b: {  	s22 =	sshrl.u32 s21, $0x1F;
	s21 =	sshra.s32 s21, $0x4  }
0x7c: {  	s21 =	sadd.s32 s22, s21  }
0x7d: {  	s22 =	smul.u32 $0xFFFFFFD8, s21  }
0x7e: {  	s23 =	ssub.s32 $0xFFFFFFD9, s19  }
0x7f: {  	p0 =	slt.s32 s20, $0x1;
	p1 =	sne.s32 s22, s23  }
0x80: {  	p0 =	por !p0, !p1  }
0x81: {  	s20 =	simm.s32 $0x1;
	p0 =	por !p0, !p0  }
0x82: {  	s20 =	simm.s32 @!p0 $0x0  }
0x83: {  	s20 =	ssub.s32 s21, s20  }
0x84: {  	p0 =	slt.s32 s20, $0x1  }
.Ltmp10:
0x85: {  	_ = 	snop;
	(pc) =	sbr.rel @p0 .LBB2_12-.Ltmp10, $1  }
0x86: {  	_ =	sdelay $0x3  }
0x87: {  	p0 =	sne.s32 s20, $0x1  }
.Ltmp11:
0x88: {  	_ = 	snop;
	(pc) =	sbr.rel @!p0 .LBB2_11-.Ltmp11, $3  }
0x89: {  	_ =	sdelay $0x1  }
0x8a: {  	_ =	swait.ge [sflag:s10], $0x500  }
0x8b: {  	s20 =	sadd.s32 $0xFFFFFFFF, s20;
	[sflag:s10] =	ssyncset.done $0x0  }
.LBB2_10:
0x8c: {  	p0 =	sne.s32 s20, $0x1;
	s20 =	sadd.s32 $0xFFFFFFFF, s20;
	[sflag:s10] =	ssyncadd.s32 $0xFFFFFB00  }
.Ltmp12:
0x8d: {  	(pc) =	sbr.rel @p0 .LBB2_10-.Ltmp12, $3  }
0x8e: {  	_ =	sdelay $0x1  }
0x8f: {  	_ =	swait.ge [sflag:s10], $0x500  }
0x90: {  	[sflag:s10] =	ssyncset.done $0x0  }
.LBB2_11:
0x91: {  	[sflag:s10] =	ssyncadd.s32 $0xFFFFFB00  }
.LBB2_12:
0x92: {  	s21 =	sshra.s32 s19, $0x2  }
0x93: {  	p0 =	slt.s32 s21, $0x1  }
.Ltmp13:
0x94: {  	_ = 	snop;
	(pc) =	sbr.rel @p0 .LBB2_13-.Ltmp13, $2  }
0x95: {  	_ =	sdelay $0x2  }
0x96: {  	v2 =	vimm.f32 $0.0e+00;
	s20 =	simm.s32 $0x6440  }
0x97: {  	p1 =	sne.s32 s21, $0x1  }
.Ltmp14:
0x98: {  	_ = 	snop;
	(pc) =	sbr.rel @!p1 .LBB2_15-.Ltmp14, $3  }
0x99: {  	_ =	sdelay $0x1  }
0x9a: {  	v3 =	vld [tilespmem:s20+$0xFFFFFFC0]  }
0x9b: {  	v4 =	vld [tilespmem:s20+$0xFFFFFFD0];
	s21 =	sadd.s32 $0xFFFFFFFF, s21;
	p0 =	por $0x0, $0x0  }
0x9c: {  	v9 =	vld [tilespmem:s20+$0xFFFFFFE0]  }
0x9d: {  	v10 =	vld [tilespmem:s20+$0xFFFFFFF0]  }
0x9e: {  	v5 =	vld [tilespmem:s20+$0x0];
	p1 =	sne.s32 s21, $0x1  }
.Ltmp15:
0x9f: {  	v7 =	vld [tilespmem:s20+$0x10];
	(pc) =	sbr.rel @!p1 .LBB2_18-.Ltmp15, $4  }
0xa0: {  	v6 =	vld [tilespmem:s20+$0x20];
	v11 =	vadd.f32 v3, v2;
	v4 =	vadd.f32 v4, v2  }
0xa1: {  	v8 =	vld [tilespmem:s20+$0x30];
	s20 =	sadd.s32 $0x80, s20  }
0xa2: {  	v3 =	vld [tilespmem:s20+$0xFFFFFFC0];
	v9 =	vadd.f32 v9, v11;
	v10 =	vadd.f32 v10, v4  }
0xa3: {  	s21 =	sadd.s32 $0xFFFFFFFF, s21;
	p0 =	por $0x1, $0x1;
	v4 =	vld [tilespmem:s20+$0xFFFFFFD0]  }
.LBB2_17:
0xa4: {  	p1 =	sne.s32 s21, $0x1;
	v11 =	vld [tilespmem:s20+$0xFFFFFFE0];
	v9 =	vadd.f32 v5, v9;
	v7 =	vadd.f32 v7, v10  }
0xa5: {  	v10 =	vld [tilespmem:s20+$0xFFFFFFF0]  }
0xa6: {  	v5 =	vld [tilespmem:s20+$0x0];
	v6 =	vadd.f32 v6, v9;
	v8 =	vadd.f32 v8, v7  }
.Ltmp16:
0xa7: {  	v7 =	vld [tilespmem:s20+$0x10];
	(pc) =	sbr.rel @p1 .LBB2_17-.Ltmp16, $4  }
0xa8: {  	v9 =	vadd.f32 v3, v6;
	v4 =	vadd.f32 v4, v8;
	v6 =	vld [tilespmem:s20+$0x20]  }
0xa9: {  	v8 =	vld [tilespmem:s20+$0x30];
	s20 =	sadd.s32 $0x80, s20  }
0xaa: {  	v3 =	vld [tilespmem:s20+$0xFFFFFFC0];
	v9 =	vadd.f32 v11, v9;
	v10 =	vadd.f32 v10, v4  }
0xab: {  	s21 =	sadd.s32 $0xFFFFFFFF, s21;
	v4 =	vld [tilespmem:s20+$0xFFFFFFD0]  }
.LBB2_18:
0xac: {  	v5 =	vadd.f32 @p0 v5, v9;
	v7 =	vadd.f32 @p0 v7, v10  }
0xad: {  	v59 =	vld [tilespmem:s20+$0xFFFFFFE0]  }
0xae: {  	v60 =	vld [tilespmem:s20+$0xFFFFFFF0];
	v5 =	vadd.f32 @p0 v6, v5;
	v6 =	vadd.f32 @p0 v8, v7  }
0xaf: {  	v61 =	vld [tilespmem:s20+$0x0]  }
0xb0: {  	v62 =	vld [tilespmem:s20+$0x10];
	v5 =	vpsel p0, v5, v2;
	v2 =	vpsel p0, v6, v2  }
0xb1: {  	v3 =	vadd.f32 v3, v5;
	v2 =	vadd.f32 v4, v2;
	v4 =	vld [tilespmem:s20+$0x20]  }
0xb2: {  	v5 =	vld [tilespmem:s20+$0x30]  }
.Ltmp17:
0xb3: {  	v3 =	vadd.f32 v59, v3;
	v2 =	vadd.f32 v60, v2;
	(pc) =	sbr.rel .LBB2_19-.Ltmp17, $3  }
0xb4: {  	_ = 	snop  }
0xb5: {  	v3 =	vadd.f32 v61, v3;
	v63 =	vadd.f32 v62, v2;
	_ =	sdelay $0x1  }
0xb6: {  	v2 =	vadd.f32 v4, v3;
	v3 =	vadd.f32 v5, v63  }
.LBB2_13:
0xb7: {  	v3 =	vimm.f32 $0.0e+00  }
.LBB2_19:
0xb8: {  	s20 =	sshll.u32 s19, $0x5  }
0xb9: {  	s20 =	sand.u32 $0xFFFFFF80, s20  }
0xba: {  	v1 =	vcvt.s32.f32 v1;
	s29 =	sand.u32 $0x3, s19;
	v6 =	vld [tilespmem:s20+$0x6410]  }
0xbb: {  	v5 =	vmov s29;
	v4 =	vld [tilespmem:s20+$0x6400]  }
0xbc: {  	v1 =	vbroadcast v1, $0x0;
	v7 =	vmin.u32 v5, $0x1;
	v9 =	vld [tilespmem:s20+$0x6430]  }
0xbd: {  	v8 =	vld [tilespmem:s20+$0x6420];
	v7 =	vcvt.s32.f32 v7  }
0xbe: {  	(erf) = vrcp.f32 v1  }
0xbf: {  	vm0 =	vgt.u32 v5, $0x1;
	v1 =	vld [tilespmem:s20+$0x6440];
	v6 =	vmul.f32 v7, v6  }
0xc0: {  	v10 =	vld [tilespmem:s20+$0x6450];
	v59 =	vsel vm0, $0x3F800000, v0;
	v4 =	vmul.f32 v7, v4  }
0xc1: {  	v61 =	vmul.f32 v59, v9;
	v3 =	vadd.f32 v6, v3  }
0xc2: {  	vm15 =	veq.s32 v5, $0x3;
	v60 =	vmul.f32 v59, v8;
	v2 =	vadd.f32 v4, v2  }
0xc3: {  	v62 =	vsel vm15, $0x3F800000, v0;
	v3 =	vadd.f32 v61, v3  }
0xc4: {  	v1 =	vmul.f32 v62, v1;
	v2 =	vadd.f32 v60, v2  }
0xc5: {  	v63 =	vmul.f32 v62, v10  }
0xc6: {  	v1 =	vadd.f32 v1, v2  }
0xc7: {  	v2 =	vadd.f32 v63, v3;
	v3 =	vpop (erf)  }
0xc8: {  	s30 =	sshll.u32 s15, $0x6;
	v1 =	vmul.f32 v1, v3  }
0xc9: {  	s19 =	sand.u32 $0x3FFFFFC0, s30;
	v2 =	vmul.f32 v2, v3  }
0xca: {  	[tilespmem:s19+$0x9690] =	vst v1  }
0xcb: {  	[tilespmem:s19+$0x96A0] =	vst v2  }
0xcc: {  	v1 =	vld [tilespmem:s18+$0x9602];
	_ =	sdelay $0x4  }
0xcd: {  	(v2sf) =	vpush v1, $0x0;
	_ =	sdelay $0xe  }
0xce: {  	s31 =	spop (v2sf)  }
0xcf: {  	s21 =	sadd.s32 $0x27, s31  }
0xd0: {  	s22 =	smulhi.u32 $0x66666667, s21;
	s23 =	sshra.s32 s21, $0x1F  }
0xd1: {  	s23 =	smul.u32 $0x66666667, s23;
	_ =	sdelay $0x1  }
0xd2: {  	s22 =	sadd.s32 s23, s22  }
0xd3: {  	s23 =	sshrl.u32 s22, $0x1F;
	s22 =	sshra.s32 s22, $0x4  }
0xd4: {  	s22 =	sadd.s32 s23, s22  }
0xd5: {  	s23 =	smul.u32 $0xFFFFFFD8, s22  }
0xd6: {  	s20 =	ssub.s32 $0xFFFFFFD9, s31  }
0xd7: {  	p0 =	slt.s32 s21, $0x1;
	p1 =	sne.s32 s23, s20  }
0xd8: {  	p0 =	por !p0, !p1  }
0xd9: {  	s20 =	simm.s32 $0x1;
	p0 =	por !p0, !p0  }
0xda: {  	s20 =	simm.s32 @!p0 $0x0  }
0xdb: {  	s21 =	ssub.s32 s22, s20  }
0xdc: {  	p0 =	slt.s32 s21, $0x1  }
.Ltmp18:
0xdd: {  	_ = 	snop;
	(pc) =	sbr.rel @p0 .LBB2_22-.Ltmp18, $2  }
0xde: {  	_ =	sdelay $0x2  }
0xdf: {  	s20 =	simm.s32 $0x6400  }
0xe0: {  	p0 =	sne.s32 s21, $0x1  }
.Ltmp19:
0xe1: {  	_ = 	snop;
	(pc) =	sbr.rel @!p0 .LBB2_22-.Ltmp19, $3  }
0xe2: {  	_ =	sdelay $0x1  }
0xe3: {  	[tilespmem:s20], [sflag:$0x1] =	stream.indirect.gather [hbm4b:s3+s11], $0x20, s16, s11, $0xb8;
	[tilespmem:$0xA690] =	vst v63  }
0xe4: {  	s21 =	sadd.s32 $0xFFFFFFFF, s21;
	s22 =	smov.u32 s16  }
.LBB2_21:
0xe5: {  	p0 =	sne.s32 s21, $0x1  }
.Ltmp20:
0xe6: {  	_ = 	snop;
	(pc) =	sbr.rel @p0 .LBB2_21-.Ltmp20, $4  }
0xe7: {  	_ = 	snop  }
0xe8: {  	s22 =	sadd.s32 $0x28, s22;
	s20 =	sadd.s32 $0x500, s20  }
0xe9: {  	s21 =	sadd.s32 $0xFFFFFFFF, s21  }
0xea: {  	[tilespmem:s20], [sflag:$0x1] =	stream.indirect.gather [hbm4b:s3+s11], $0x20, s22, s11, $0xb8;
	[tilespmem:$0xA690] =	vst v63  }
.LBB2_22:
0xeb: {  	v1 =	vld [tilespmem:s18+$0x9601];
	_ =	sdelay $0x4  }
0xec: {  	(v2sf) =	vpush v1, $0x0;
	_ =	sdelay $0xe  }
0xed: {  	s20 =	spop (v2sf)  }
0xee: {  	s21 =	sadd.s32 $0x27, s20  }
0xef: {  	s22 =	smulhi.u32 $0x66666667, s21;
	s23 =	sshra.s32 s21, $0x1F  }
0xf0: {  	s23 =	smul.u32 $0x66666667, s23;
	_ =	sdelay $0x1  }
0xf1: {  	s22 =	sadd.s32 s23, s22  }
0xf2: {  	s23 =	sshrl.u32 s22, $0x1F;
	s22 =	sshra.s32 s22, $0x4  }
0xf3: {  	s22 =	sadd.s32 s23, s22  }
0xf4: {  	s23 =	smul.u32 $0xFFFFFFD8, s22  }
0xf5: {  	s24 =	ssub.s32 $0xFFFFFFD9, s20  }
0xf6: {  	p0 =	slt.s32 s21, $0x1;
	p1 =	sne.s32 s23, s24  }
0xf7: {  	p0 =	por !p0, !p1  }
0xf8: {  	s21 =	simm.s32 $0x1;
	p0 =	por !p0, !p0  }
0xf9: {  	s21 =	simm.s32 @!p0 $0x0  }
0xfa: {  	s21 =	ssub.s32 s22, s21  }
0xfb: {  	p0 =	slt.s32 s21, $0x1  }
.Ltmp21:
0xfc: {  	_ = 	snop;
	(pc) =	sbr.rel @p0 .LBB2_26-.Ltmp21, $1  }
0xfd: {  	_ =	sdelay $0x3  }
0xfe: {  	p0 =	sne.s32 s21, $0x1  }
.Ltmp22:
0xff: {  	_ = 	snop;
	(pc) =	sbr.rel @!p0 .LBB2_25-.Ltmp22, $3  }
0x100: {  	_ =	sdelay $0x1  }
0x101: {  	_ =	swait.ge [sflag:s12], $0x500  }
0x102: {  	s21 =	sadd.s32 $0xFFFFFFFF, s21;
	[sflag:s12] =	ssyncset.done $0x0  }
.LBB2_24:
0x103: {  	p0 =	sne.s32 s21, $0x1;
	s21 =	sadd.s32 $0xFFFFFFFF, s21;
	[sflag:s12] =	ssyncadd.s32 $0xFFFFFB00  }
.Ltmp23:
0x104: {  	(pc) =	sbr.rel @p0 .LBB2_24-.Ltmp23, $3  }
0x105: {  	_ =	sdelay $0x1  }
0x106: {  	_ =	swait.ge [sflag:s12], $0x500  }
0x107: {  	[sflag:s12] =	ssyncset.done $0x0  }
.LBB2_25:
0x108: {  	[sflag:s12] =	ssyncadd.s32 $0xFFFFFB00  }
.LBB2_26:
0x109: {  	s22 =	sshra.s32 s20, $0x2  }
0x10a: {  	p0 =	slt.s32 s22, $0x1  }
.Ltmp24:
0x10b: {  	_ = 	snop;
	(pc) =	sbr.rel @p0 .LBB2_27-.Ltmp24, $2  }
0x10c: {  	_ =	sdelay $0x2  }
0x10d: {  	v2 =	vimm.f32 $0.0e+00;
	s21 =	simm.s32 $0x7D40  }
0x10e: {  	p1 =	sne.s32 s22, $0x1  }
.Ltmp25:
0x10f: {  	_ = 	snop;
	(pc) =	sbr.rel @!p1 .LBB2_29-.Ltmp25, $3  }
0x110: {  	_ =	sdelay $0x1  }
0x111: {  	v3 =	vld [tilespmem:s21+$0xFFFFFFC0]  }
0x112: {  	v4 =	vld [tilespmem:s21+$0xFFFFFFD0];
	s22 =	sadd.s32 $0xFFFFFFFF, s22;
	p0 =	por $0x0, $0x0  }
0x113: {  	v9 =	vld [tilespmem:s21+$0xFFFFFFE0]  }
0x114: {  	v10 =	vld [tilespmem:s21+$0xFFFFFFF0]  }
0x115: {  	v5 =	vld [tilespmem:s21+$0x0];
	p1 =	sne.s32 s22, $0x1  }
.Ltmp26:
0x116: {  	v7 =	vld [tilespmem:s21+$0x10];
	(pc) =	sbr.rel @!p1 .LBB2_32-.Ltmp26, $4  }
0x117: {  	v6 =	vld [tilespmem:s21+$0x20];
	v11 =	vadd.f32 v3, v2;
	v4 =	vadd.f32 v4, v2  }
0x118: {  	v8 =	vld [tilespmem:s21+$0x30];
	s21 =	sadd.s32 $0x80, s21  }
0x119: {  	v3 =	vld [tilespmem:s21+$0xFFFFFFC0];
	v9 =	vadd.f32 v9, v11;
	v10 =	vadd.f32 v10, v4  }
0x11a: {  	s22 =	sadd.s32 $0xFFFFFFFF, s22;
	p0 =	por $0x1, $0x1;
	v4 =	vld [tilespmem:s21+$0xFFFFFFD0]  }
.LBB2_31:
0x11b: {  	p1 =	sne.s32 s22, $0x1;
	v11 =	vld [tilespmem:s21+$0xFFFFFFE0];
	v9 =	vadd.f32 v5, v9;
	v7 =	vadd.f32 v7, v10  }
0x11c: {  	v10 =	vld [tilespmem:s21+$0xFFFFFFF0]  }
0x11d: {  	v5 =	vld [tilespmem:s21+$0x0];
	v6 =	vadd.f32 v6, v9;
	v8 =	vadd.f32 v8, v7  }
.Ltmp27:
0x11e: {  	v7 =	vld [tilespmem:s21+$0x10];
	(pc) =	sbr.rel @p1 .LBB2_31-.Ltmp27, $4  }
0x11f: {  	v9 =	vadd.f32 v3, v6;
	v4 =	vadd.f32 v4, v8;
	v6 =	vld [tilespmem:s21+$0x20]  }
0x120: {  	v8 =	vld [tilespmem:s21+$0x30];
	s21 =	sadd.s32 $0x80, s21  }
0x121: {  	v3 =	vld [tilespmem:s21+$0xFFFFFFC0];
	v9 =	vadd.f32 v11, v9;
	v10 =	vadd.f32 v10, v4  }
0x122: {  	s22 =	sadd.s32 $0xFFFFFFFF, s22;
	v4 =	vld [tilespmem:s21+$0xFFFFFFD0]  }
.LBB2_32:
0x123: {  	v5 =	vadd.f32 @p0 v5, v9;
	v7 =	vadd.f32 @p0 v7, v10  }
0x124: {  	v59 =	vld [tilespmem:s21+$0xFFFFFFE0]  }
0x125: {  	v60 =	vld [tilespmem:s21+$0xFFFFFFF0];
	v5 =	vadd.f32 @p0 v6, v5;
	v6 =	vadd.f32 @p0 v8, v7  }
0x126: {  	v61 =	vld [tilespmem:s21+$0x0]  }
0x127: {  	v62 =	vld [tilespmem:s21+$0x10];
	v5 =	vpsel p0, v5, v2;
	v2 =	vpsel p0, v6, v2  }
0x128: {  	v3 =	vadd.f32 v3, v5;
	v2 =	vadd.f32 v4, v2;
	v4 =	vld [tilespmem:s21+$0x20]  }
0x129: {  	v5 =	vld [tilespmem:s21+$0x30]  }
.Ltmp28:
0x12a: {  	v3 =	vadd.f32 v59, v3;
	v2 =	vadd.f32 v60, v2;
	(pc) =	sbr.rel .LBB2_33-.Ltmp28, $3  }
0x12b: {  	_ = 	snop  }
0x12c: {  	v3 =	vadd.f32 v61, v3;
	v63 =	vadd.f32 v62, v2;
	_ =	sdelay $0x1  }
0x12d: {  	v2 =	vadd.f32 v4, v3;
	v3 =	vadd.f32 v5, v63  }
.LBB2_27:
0x12e: {  	v3 =	vimm.f32 $0.0e+00  }
.LBB2_33:
0x12f: {  	s21 =	sshll.u32 s20, $0x5  }
0x130: {  	s21 =	sand.u32 $0xFFFFFF80, s21  }
0x131: {  	v1 =	vcvt.s32.f32 v1;
	s26 =	sand.u32 $0x3, s20;
	v6 =	vld [tilespmem:s21+$0x7D10]  }
0x132: {  	v5 =	vmov s26;
	v4 =	vld [tilespmem:s21+$0x7D00]  }
0x133: {  	v1 =	vbroadcast v1, $0x0;
	v7 =	vmin.u32 v5, $0x1;
	v9 =	vld [tilespmem:s21+$0x7D30]  }
0x134: {  	v8 =	vld [tilespmem:s21+$0x7D20];
	v7 =	vcvt.s32.f32 v7  }
0x135: {  	(erf) = vrcp.f32 v1  }
0x136: {  	vm0 =	vgt.u32 v5, $0x1;
	v1 =	vld [tilespmem:s21+$0x7D40];
	v6 =	vmul.f32 v7, v6  }
0x137: {  	v10 =	vld [tilespmem:s21+$0x7D50];
	v59 =	vsel vm0, $0x3F800000, v0;
	v4 =	vmul.f32 v7, v4  }
0x138: {  	v61 =	vmul.f32 v59, v9;
	v3 =	vadd.f32 v6, v3  }
0x139: {  	vm15 =	veq.s32 v5, $0x3;
	v60 =	vmul.f32 v59, v8;
	v2 =	vadd.f32 v4, v2  }
0x13a: {  	v62 =	vsel vm15, $0x3F800000, v0;
	v3 =	vadd.f32 v61, v3  }
0x13b: {  	v1 =	vmul.f32 v62, v1;
	v2 =	vadd.f32 v60, v2  }
0x13c: {  	v63 =	vmul.f32 v62, v10  }
0x13d: {  	v1 =	vadd.f32 v1, v2  }
0x13e: {  	v2 =	vadd.f32 v63, v3;
	v3 =	vpop (erf)  }
0x13f: {  	v1 =	vmul.f32 v1, v3  }
0x140: {  	v2 =	vmul.f32 v2, v3  }
0x141: {  	[tilespmem:s19+$0x96B0] =	vst v1  }
0x142: {  	[tilespmem:s19+$0x96C0] =	vst v2  }
0x143: {  	v1 =	vld [tilespmem:s18+$0x9603];
	_ =	sdelay $0x4  }
0x144: {  	(v2sf) =	vpush v1, $0x0;
	_ =	sdelay $0xe  }
0x145: {  	s28 =	spop (v2sf)  }
0x146: {  	s29 =	sadd.s32 $0x27, s28  }
0x147: {  	s30 =	smulhi.u32 $0x66666667, s29;
	s31 =	sshra.s32 s29, $0x1F  }
0x148: {  	s21 =	smul.u32 $0x66666667, s31;
	_ =	sdelay $0x1  }
0x149: {  	s20 =	sadd.s32 s21, s30  }
0x14a: {  	s21 =	sshrl.u32 s20, $0x1F;
	s20 =	sshra.s32 s20, $0x4  }
0x14b: {  	s20 =	sadd.s32 s21, s20  }
0x14c: {  	s21 =	smul.u32 $0xFFFFFFD8, s20  }
0x14d: {  	s18 =	ssub.s32 $0xFFFFFFD9, s28  }
0x14e: {  	p0 =	slt.s32 s29, $0x1;
	p1 =	sne.s32 s21, s18  }
0x14f: {  	p0 =	por !p0, !p1  }
0x150: {  	s18 =	simm.s32 $0x1;
	p0 =	por !p0, !p0  }
0x151: {  	s18 =	simm.s32 @!p0 $0x0  }
0x152: {  	s19 =	ssub.s32 s20, s18  }
0x153: {  	p0 =	slt.s32 s19, $0x1  }
.Ltmp29:
0x154: {  	_ = 	snop;
	(pc) =	sbr.rel @p0 .LBB2_36-.Ltmp29, $2  }
0x155: {  	_ =	sdelay $0x2  }
0x156: {  	s18 =	simm.s32 $0x7D00  }
0x157: {  	p0 =	sne.s32 s19, $0x1  }
.Ltmp30:
0x158: {  	_ = 	snop;
	(pc) =	sbr.rel @!p0 .LBB2_36-.Ltmp30, $3  }
0x159: {  	_ =	sdelay $0x1  }
0x15a: {  	[tilespmem:s18], [sflag:$0x2] =	stream.indirect.gather [hbm4b:s3+s11], $0x20, s17, s11, $0xb8;
	[tilespmem:$0xA690] =	vst v63  }
0x15b: {  	s19 =	sadd.s32 $0xFFFFFFFF, s19;
	s20 =	smov.u32 s17  }
.LBB2_35:
0x15c: {  	p0 =	sne.s32 s19, $0x1  }
.Ltmp31:
0x15d: {  	_ = 	snop;
	(pc) =	sbr.rel @p0 .LBB2_35-.Ltmp31, $4  }
0x15e: {  	_ = 	snop  }
0x15f: {  	s20 =	sadd.s32 $0x28, s20;
	s18 =	sadd.s32 $0x500, s18  }
0x160: {  	s19 =	sadd.s32 $0xFFFFFFFF, s19  }
0x161: {  	[tilespmem:s18], [sflag:$0x2] =	stream.indirect.gather [hbm4b:s3+s11], $0x20, s20, s11, $0xb8;
	[tilespmem:$0xA690] =	vst v63  }
.Ltmp32:
0x162: {  	_ = 	snop;
	(pc) =	sbr.rel .LBB2_36-.Ltmp32, $1  }
0x163: {  	_ =	sdelay $0x3  }
.LBB2_15:
.Ltmp33:
0x164: {  	(pc) =	sbr.rel .LBB2_18-.Ltmp33, $2  }
0x165: {  	_ =	sdelay $0x2  }
0x166: {  	_ = 	snop  }
.LBB2_29:
.Ltmp34:
0x167: {  	(pc) =	sbr.rel .LBB2_32-.Ltmp34, $2  }
0x168: {  	_ =	sdelay $0x2  }
0x169: {  	_ = 	snop  }
.LBB2_37:
0x16a: {  	v2 =	vld [tilespmem:$0x967E];
	_ =	sdelay $0x4  }
0x16b: {  	(v2sf) =	vpush v2, $0x0;
	_ =	sdelay $0xe  }
0x16c: {  	s15 =	spop (v2sf)  }
0x16d: {  	s16 =	sadd.s32 $0x27, s15  }
0x16e: {  	s17 =	smulhi.u32 $0x66666667, s16;
	s18 =	sshra.s32 s16, $0x1F  }
0x16f: {  	s18 =	smul.u32 $0x66666667, s18;
	_ =	sdelay $0x1  }
0x170: {  	s17 =	sadd.s32 s18, s17  }
0x171: {  	s18 =	sshrl.u32 s17, $0x1F;
	s17 =	sshra.s32 s17, $0x4  }
0x172: {  	s17 =	sadd.s32 s18, s17  }
0x173: {  	s18 =	smul.u32 $0xFFFFFFD8, s17  }
0x174: {  	s19 =	ssub.s32 $0xFFFFFFD9, s15  }
0x175: {  	p0 =	slt.s32 s16, $0x1;
	p1 =	sne.s32 s18, s19  }
0x176: {  	p0 =	por !p0, !p1  }
0x177: {  	s16 =	simm.s32 $0x1;
	p0 =	por !p0, !p0  }
0x178: {  	s16 =	simm.s32 @!p0 $0x0  }
0x179: {  	s16 =	ssub.s32 s17, s16  }
0x17a: {  	p0 =	slt.s32 s16, $0x1  }
.Ltmp35:
0x17b: {  	_ = 	snop;
	(pc) =	sbr.rel @p0 .LBB2_41-.Ltmp35, $1  }
0x17c: {  	_ =	sdelay $0x3  }
0x17d: {  	p0 =	sne.s32 s16, $0x1  }
.Ltmp36:
0x17e: {  	_ = 	snop;
	(pc) =	sbr.rel @!p0 .LBB2_40-.Ltmp36, $3  }
0x17f: {  	_ =	sdelay $0x1  }
0x180: {  	_ =	swait.ge [sflag:s10], $0x500  }
0x181: {  	s16 =	sadd.s32 $0xFFFFFFFF, s16;
	[sflag:s10] =	ssyncset.done $0x0  }
.LBB2_39:
0x182: {  	p0 =	sne.s32 s16, $0x1;
	s16 =	sadd.s32 $0xFFFFFFFF, s16;
	[sflag:s10] =	ssyncadd.s32 $0xFFFFFB00  }
.Ltmp37:
0x183: {  	(pc) =	sbr.rel @p0 .LBB2_39-.Ltmp37, $3  }
0x184: {  	_ =	sdelay $0x1  }
0x185: {  	_ =	swait.ge [sflag:s10], $0x500  }
0x186: {  	[sflag:s10] =	ssyncset.done $0x0  }
.LBB2_40:
0x187: {  	[sflag:s10] =	ssyncadd.s32 $0xFFFFFB00  }
.LBB2_41:
0x188: {  	s17 =	sshra.s32 s15, $0x2  }
0x189: {  	p0 =	slt.s32 s17, $0x1  }
.Ltmp38:
0x18a: {  	_ = 	snop;
	(pc) =	sbr.rel @p0 .LBB2_42-.Ltmp38, $2  }
0x18b: {  	_ =	sdelay $0x2  }
0x18c: {  	v3 =	vimm.f32 $0.0e+00;
	s16 =	simm.s32 $0x6440  }
0x18d: {  	p1 =	sne.s32 s17, $0x1  }
.Ltmp39:
0x18e: {  	_ = 	snop;
	(pc) =	sbr.rel @!p1 .LBB2_44-.Ltmp39, $3  }
0x18f: {  	_ =	sdelay $0x1  }
0x190: {  	v1 =	vld [tilespmem:s16+$0xFFFFFFC0]  }
0x191: {  	v4 =	vld [tilespmem:s16+$0xFFFFFFD0];
	s17 =	sadd.s32 $0xFFFFFFFF, s17;
	p0 =	por $0x0, $0x0  }
0x192: {  	v9 =	vld [tilespmem:s16+$0xFFFFFFE0]  }
0x193: {  	v10 =	vld [tilespmem:s16+$0xFFFFFFF0]  }
0x194: {  	v5 =	vld [tilespmem:s16+$0x0];
	p1 =	sne.s32 s17, $0x1  }
.Ltmp40:
0x195: {  	v7 =	vld [tilespmem:s16+$0x10];
	(pc) =	sbr.rel @!p1 .LBB2_47-.Ltmp40, $4  }
0x196: {  	v6 =	vld [tilespmem:s16+$0x20];
	v11 =	vadd.f32 v1, v3;
	v4 =	vadd.f32 v4, v3  }
0x197: {  	v8 =	vld [tilespmem:s16+$0x30];
	s16 =	sadd.s32 $0x80, s16  }
0x198: {  	v1 =	vld [tilespmem:s16+$0xFFFFFFC0];
	v9 =	vadd.f32 v9, v11;
	v10 =	vadd.f32 v10, v4  }
0x199: {  	s17 =	sadd.s32 $0xFFFFFFFF, s17;
	p0 =	por $0x1, $0x1;
	v4 =	vld [tilespmem:s16+$0xFFFFFFD0]  }
.LBB2_46:
0x19a: {  	p1 =	sne.s32 s17, $0x1;
	v11 =	vld [tilespmem:s16+$0xFFFFFFE0];
	v9 =	vadd.f32 v5, v9;
	v7 =	vadd.f32 v7, v10  }
0x19b: {  	v10 =	vld [tilespmem:s16+$0xFFFFFFF0]  }
0x19c: {  	v5 =	vld [tilespmem:s16+$0x0];
	v6 =	vadd.f32 v6, v9;
	v8 =	vadd.f32 v8, v7  }
.Ltmp41:
0x19d: {  	v7 =	vld [tilespmem:s16+$0x10];
	(pc) =	sbr.rel @p1 .LBB2_46-.Ltmp41, $4  }
0x19e: {  	v9 =	vadd.f32 v1, v6;
	v4 =	vadd.f32 v4, v8;
	v6 =	vld [tilespmem:s16+$0x20]  }
0x19f: {  	v8 =	vld [tilespmem:s16+$0x30];
	s16 =	sadd.s32 $0x80, s16  }
0x1a0: {  	v1 =	vld [tilespmem:s16+$0xFFFFFFC0];
	v9 =	vadd.f32 v11, v9;
	v10 =	vadd.f32 v10, v4  }
0x1a1: {  	s17 =	sadd.s32 $0xFFFFFFFF, s17;
	v4 =	vld [tilespmem:s16+$0xFFFFFFD0]  }
.LBB2_47:
0x1a2: {  	v5 =	vadd.f32 @p0 v5, v9;
	v7 =	vadd.f32 @p0 v7, v10  }
0x1a3: {  	v61 =	vld [tilespmem:s16+$0xFFFFFFE0]  }
0x1a4: {  	v62 =	vld [tilespmem:s16+$0xFFFFFFF0];
	v5 =	vadd.f32 @p0 v6, v5;
	v6 =	vadd.f32 @p0 v8, v7  }
0x1a5: {  	v63 =	vld [tilespmem:s16+$0x10]  }
0x1a6: {  	v7 =	vld [tilespmem:s16+$0x0];
	v5 =	vpsel p0, v5, v3;
	v3 =	vpsel p0, v6, v3  }
0x1a7: {  	v1 =	vadd.f32 v1, v5;
	v3 =	vadd.f32 v4, v3;
	v4 =	vld [tilespmem:s16+$0x20]  }
0x1a8: {  	v5 =	vld [tilespmem:s16+$0x30]  }
.Ltmp42:
0x1a9: {  	v1 =	vadd.f32 v61, v1;
	v3 =	vadd.f32 v62, v3;
	(pc) =	sbr.rel .LBB2_48-.Ltmp42, $3  }
0x1aa: {  	_ = 	snop  }
0x1ab: {  	v1 =	vadd.f32 v7, v1;
	v6 =	vadd.f32 v63, v3;
	_ =	sdelay $0x1  }
0x1ac: {  	v3 =	vadd.f32 v4, v1;
	v4 =	vadd.f32 v5, v6  }
.LBB2_42:
0x1ad: {  	v4 =	vimm.f32 $0.0e+00  }
.LBB2_48:
0x1ae: {  	v1 =	vld [tilespmem:$0x967F];
	_ =	sdelay $0x4  }
0x1af: {  	(v2sf) =	vpush v1, $0x0;
	_ =	sdelay $0xd  }
0x1b0: {  	s16 =	sshll.u32 s15, $0x5  }
0x1b1: {  	s17 =	sand.u32 $0x3, s15;
	s16 =	sand.u32 $0xFFFFFF80, s16;
	s15 =	spop (v2sf)  }
0x1b2: {  	v5 =	vld [tilespmem:s16+$0x6400];
	s29 =	sadd.s32 $0x27, s15  }
0x1b3: {  	v2 =	vcvt.s32.f32 v2;
	v7 =	vld [tilespmem:s16+$0x6410];
	s18 =	smulhi.u32 $0x66666667, s29;
	s19 =	sshra.s32 s29, $0x1F  }
0x1b4: {  	v9 =	vld [tilespmem:s16+$0x6420];
	s19 =	smul.u32 $0x66666667, s19  }
0x1b5: {  	v2 =	vbroadcast v2, $0x0;
	v10 =	vld [tilespmem:s16+$0x6430]  }
0x1b6: {  	v6 =	vmov s17;
	v11 =	vld [tilespmem:s16+$0x6450];
	s30 =	sadd.s32 s19, s18  }
0x1b7: {  	v8 =	vmin.u32 v6, $0x1;
	(erf) = vrcp.f32 v2;
	v2 =	vld [tilespmem:s16+$0x6440];
	s18 =	sshrl.u32 s30, $0x1F;
	s16 =	sshra.s32 s30, $0x4  }
0x1b8: {  	v8 =	vcvt.s32.f32 v8;
	s16 =	sadd.s32 s18, s16  }
0x1b9: {  	s18 =	smul.u32 $0xFFFFFFD8, s16  }
0x1ba: {  	vm0 =	vgt.u32 v6, $0x1;
	v5 =	vmul.f32 v8, v5;
	s31 =	ssub.s32 $0xFFFFFFD9, s15  }
0x1bb: {  	v58 =	vsel vm0, $0x3F800000, v0;
	v7 =	vmul.f32 v8, v7;
	p0 =	slt.s32 s29, $0x1;
	p1 =	sne.s32 s18, s31  }
0x1bc: {  	vm15 =	veq.s32 v6, $0x3;
	v59 =	vmul.f32 v58, v9;
	v3 =	vadd.f32 v5, v3;
	p0 =	por !p0, !p1  }
0x1bd: {  	s17 =	simm.s32 $0x1;
	v61 =	vsel vm15, $0x3F800000, v0;
	v60 =	vmul.f32 v58, v10;
	v4 =	vadd.f32 v7, v4;
	p0 =	por !p0, !p0  }
0x1be: {  	v2 =	vmul.f32 v61, v2;
	v3 =	vadd.f32 v59, v3;
	s17 =	simm.s32 @!p0 $0x0  }
0x1bf: {  	v62 =	vmul.f32 v61, v11;
	v4 =	vadd.f32 v60, v4;
	s16 =	ssub.s32 s16, s17  }
0x1c0: {  	v2 =	vadd.f32 v2, v3;
	p0 =	slt.s32 s16, $0x1  }
.Ltmp43:
0x1c1: {  	v3 =	vadd.f32 v62, v4;
	v63 =	vpop (erf);
	(pc) =	sbr.rel @p0 .LBB2_52-.Ltmp43, $4  }
0x1c2: {  	v2 =	vmul.f32 v2, v63  }
0x1c3: {  	v3 =	vmul.f32 v3, v63  }
0x1c4: {  	[tilespmem:$0xA650] =	vst v2  }
0x1c5: {  	[tilespmem:$0xA660] =	vst v3  }
0x1c6: {  	p0 =	sne.s32 s16, $0x1  }
.Ltmp44:
0x1c7: {  	_ = 	snop;
	(pc) =	sbr.rel @!p0 .LBB2_51-.Ltmp44, $3  }
0x1c8: {  	_ =	sdelay $0x1  }
0x1c9: {  	_ =	swait.ge [sflag:s12], $0x500  }
0x1ca: {  	s16 =	sadd.s32 $0xFFFFFFFF, s16;
	[sflag:s12] =	ssyncset.done $0x0  }
.LBB2_50:
0x1cb: {  	p0 =	sne.s32 s16, $0x1;
	s16 =	sadd.s32 $0xFFFFFFFF, s16;
	[sflag:s12] =	ssyncadd.s32 $0xFFFFFB00  }
.Ltmp45:
0x1cc: {  	(pc) =	sbr.rel @p0 .LBB2_50-.Ltmp45, $3  }
0x1cd: {  	_ =	sdelay $0x1  }
0x1ce: {  	_ =	swait.ge [sflag:s12], $0x500  }
0x1cf: {  	[sflag:s12] =	ssyncset.done $0x0  }
.LBB2_51:
0x1d0: {  	[sflag:s12] =	ssyncadd.s32 $0xFFFFFB00  }
.LBB2_52:
0x1d1: {  	s17 =	sshra.s32 s15, $0x2  }
0x1d2: {  	p0 =	slt.s32 s17, $0x1  }
.Ltmp46:
0x1d3: {  	_ = 	snop;
	(pc) =	sbr.rel @p0 .LBB2_53-.Ltmp46, $2  }
0x1d4: {  	_ =	sdelay $0x2  }
0x1d5: {  	v2 =	vimm.f32 $0.0e+00;
	s16 =	simm.s32 $0x7D40  }
0x1d6: {  	p1 =	sne.s32 s17, $0x1  }
.Ltmp47:
0x1d7: {  	_ = 	snop;
	(pc) =	sbr.rel @!p1 .LBB2_55-.Ltmp47, $3  }
0x1d8: {  	_ =	sdelay $0x1  }
0x1d9: {  	v3 =	vld [tilespmem:s16+$0xFFFFFFC0]  }
0x1da: {  	v4 =	vld [tilespmem:s16+$0xFFFFFFD0];
	s17 =	sadd.s32 $0xFFFFFFFF, s17;
	p0 =	por $0x0, $0x0  }
0x1db: {  	v9 =	vld [tilespmem:s16+$0xFFFFFFE0]  }
0x1dc: {  	v10 =	vld [tilespmem:s16+$0xFFFFFFF0]  }
0x1dd: {  	v5 =	vld [tilespmem:s16+$0x0];
	p1 =	sne.s32 s17, $0x1  }
.Ltmp48:
0x1de: {  	v7 =	vld [tilespmem:s16+$0x10];
	(pc) =	sbr.rel @!p1 .LBB2_58-.Ltmp48, $4  }
0x1df: {  	v6 =	vld [tilespmem:s16+$0x20];
	v11 =	vadd.f32 v3, v2;
	v4 =	vadd.f32 v4, v2  }
0x1e0: {  	v8 =	vld [tilespmem:s16+$0x30];
	s16 =	sadd.s32 $0x80, s16  }
0x1e1: {  	v3 =	vld [tilespmem:s16+$0xFFFFFFC0];
	v9 =	vadd.f32 v9, v11;
	v10 =	vadd.f32 v10, v4  }
0x1e2: {  	s17 =	sadd.s32 $0xFFFFFFFF, s17;
	p0 =	por $0x1, $0x1;
	v4 =	vld [tilespmem:s16+$0xFFFFFFD0]  }
.LBB2_57:
0x1e3: {  	p1 =	sne.s32 s17, $0x1;
	v11 =	vld [tilespmem:s16+$0xFFFFFFE0];
	v9 =	vadd.f32 v5, v9;
	v7 =	vadd.f32 v7, v10  }
0x1e4: {  	v10 =	vld [tilespmem:s16+$0xFFFFFFF0]  }
0x1e5: {  	v5 =	vld [tilespmem:s16+$0x0];
	v6 =	vadd.f32 v6, v9;
	v8 =	vadd.f32 v8, v7  }
.Ltmp49:
0x1e6: {  	v7 =	vld [tilespmem:s16+$0x10];
	(pc) =	sbr.rel @p1 .LBB2_57-.Ltmp49, $4  }
0x1e7: {  	v9 =	vadd.f32 v3, v6;
	v4 =	vadd.f32 v4, v8;
	v6 =	vld [tilespmem:s16+$0x20]  }
0x1e8: {  	v8 =	vld [tilespmem:s16+$0x30];
	s16 =	sadd.s32 $0x80, s16  }
0x1e9: {  	v3 =	vld [tilespmem:s16+$0xFFFFFFC0];
	v9 =	vadd.f32 v11, v9;
	v10 =	vadd.f32 v10, v4  }
0x1ea: {  	s17 =	sadd.s32 $0xFFFFFFFF, s17;
	v4 =	vld [tilespmem:s16+$0xFFFFFFD0]  }
.LBB2_58:
0x1eb: {  	v5 =	vadd.f32 @p0 v5, v9;
	v7 =	vadd.f32 @p0 v7, v10  }
0x1ec: {  	v59 =	vld [tilespmem:s16+$0xFFFFFFE0]  }
0x1ed: {  	v60 =	vld [tilespmem:s16+$0xFFFFFFF0];
	v5 =	vadd.f32 @p0 v6, v5;
	v6 =	vadd.f32 @p0 v8, v7  }
0x1ee: {  	v61 =	vld [tilespmem:s16+$0x0]  }
0x1ef: {  	v62 =	vld [tilespmem:s16+$0x10];
	v5 =	vpsel p0, v5, v2;
	v2 =	vpsel p0, v6, v2  }
0x1f0: {  	v3 =	vadd.f32 v3, v5;
	v2 =	vadd.f32 v4, v2;
	v4 =	vld [tilespmem:s16+$0x20]  }
0x1f1: {  	v5 =	vld [tilespmem:s16+$0x30]  }
.Ltmp50:
0x1f2: {  	v3 =	vadd.f32 v59, v3;
	v2 =	vadd.f32 v60, v2;
	(pc) =	sbr.rel .LBB2_59-.Ltmp50, $3  }
0x1f3: {  	_ = 	snop  }
0x1f4: {  	v3 =	vadd.f32 v61, v3;
	v63 =	vadd.f32 v62, v2;
	_ =	sdelay $0x1  }
0x1f5: {  	v2 =	vadd.f32 v4, v3;
	v3 =	vadd.f32 v5, v63  }
.LBB2_44:
.Ltmp51:
0x1f6: {  	(pc) =	sbr.rel .LBB2_47-.Ltmp51, $2  }
0x1f7: {  	_ =	sdelay $0x2  }
0x1f8: {  	_ = 	snop  }
.LBB2_55:
.Ltmp52:
0x1f9: {  	(pc) =	sbr.rel .LBB2_58-.Ltmp52, $2  }
0x1fa: {  	_ =	sdelay $0x2  }
0x1fb: {  	_ = 	snop  }
.LBB2_60:
0x1fc: {  	_ =	sfence.sel $0x180000  }
0x1fd: {  	[bflag:$0x0] =	sbarrier.arrive $0xFFFF  }
0x1fe: {  	p0 =	sne.s32 s0, $0x0;
	_ =	strace $0x90000047  }
0x1ff: {  	s0 =	sadd.s32 @!p0 $0x100000, s1;
	[bflag:$0x2] =	sbarrier.arrive $0xFFFF  }
0x200: {  	[sflag:s0] =	ssyncadd.tile.s32 @!p0 $0x1;
	_ =	shalt  }
.Lfunc_end2:
_tile_overlayer_lowered:
.L_overlay_start_2:
0x201: {  	(tag) =	ssettag $0x2  }
0x202: {  	s0 =	rddreg [dreg:$0x0];
	s2 =	stileid.u32  }
0x203: {  	s1 =	rddreg [dreg:$0x1];
	p0 =	sne.s32 s2, $0x0  }
0x204: {  	s3 =	rddreg [dreg:$0x2];
	[bflag:$0x3] =	sbarrier.arrive $0xFFFF;
	s2 =	simm.s32 @!p0 $0x1C03  }
0x205: {  	[timem:s3], [sflag:s2] =	dma.local @!p0 [hbm:s0], s1  }
0x206: {  	s0 =	simm.s32 @!p0 $0x3  }
0x207: {  	_ =	swait.ge @!p0 [sflag:s0], s1  }
0x208: {  	s1 =	ssub.s32 @!p0 $0x0, s1;
	[sflag:s0] =	ssyncset.done @!p0 $0x0  }
0x209: {  	[sflag:s0] =	ssyncadd.s32 @!p0 s1  }
0x20a: {  	[bflag:$0x3] =	sbarrier.arrive $0xFFFF  }
0x20b: {  	_ =	shalt  }

</sc_bundles>
